<compile_context>
chip_gen: v7x
topology: tpu7x:2x2x1
jax: 0.10.2.dev20260603
libtpu: 0.0.44.dev20260713+nightly
codegen_flags: <defaults>
</compile_context>

<pallas_src>
import jax
import jax.numpy as jnp
from jax import lax
from jax.experimental import pallas as pl
from jax.experimental.pallas import tpu as pltpu
from jax.experimental.pallas import tpu_sc as plsc

_N = 100000
_G = 512
_NC = 2
_NS = 16
_L = 16

_PER_W = 6256
_LAST_W = _N - (_NS - 1) * _PER_W
_VECS = _PER_W // _L

_FPW = 18752
_FLAST = _N * 3 - (_NS - 1) * _FPW
_FB = 2048


def _sc_body(pos_hbm, batch_hbm, energy_hbm, forces_hbm,
             pos_v, b_v, z_v, r_v, f_v, sem, acc_sh):
  c = lax.axis_index("c")
  s = lax.axis_index("s")

  @pl.when(c == 0)
  def _():
    base = s * _PER_W
    count = jnp.where(s == _NS - 1, _LAST_W, _PER_W)

    @pl.when(s < _NS - 1)
    def _():
      pltpu.async_copy(
          pos_hbm.at[pl.ds(base * 3, _PER_W * 3)], pos_v, sem)
      pltpu.async_copy(
          batch_hbm.at[pl.ds(base, _PER_W)], b_v, sem)

    @pl.when(s == _NS - 1)
    def _():
      pltpu.async_copy(
          pos_hbm.at[pl.ds(base * 3, _LAST_W * 3)],
          pos_v.at[pl.ds(0, _LAST_W * 3)], sem)
      pltpu.async_copy(
          batch_hbm.at[pl.ds(base, _LAST_W)],
          b_v.at[pl.ds(0, _LAST_W)], sem)

    def _zfill(i, _):
      z_v[pl.ds(i * _L, _L)] = jnp.zeros((_L,), jnp.float32)
      return 0
    lax.fori_loop(0, _G // _L, _zfill, 0)

    @pl.when(s < _NS - 1)
    def _():
      pltpu.make_async_copy(
          pos_hbm.at[pl.ds(base * 3, _PER_W * 3)], pos_v, sem).wait()
      pltpu.make_async_copy(
          batch_hbm.at[pl.ds(base, _PER_W)], b_v, sem).wait()

    @pl.when(s == _NS - 1)
    def _():
      pltpu.make_async_copy(
          pos_hbm.at[pl.ds(base * 3, _LAST_W * 3)],
          pos_v.at[pl.ds(0, _LAST_W * 3)], sem).wait()
      pltpu.make_async_copy(
          batch_hbm.at[pl.ds(base, _LAST_W)],
          b_v.at[pl.ds(0, _LAST_W)], sem).wait()

    lanes = lax.iota(jnp.int32, _L)
    lane0 = lanes == 0

    def _step(i, _):
      off = i * _L
      rows = off + lanes
      valid = rows < count
      rows_c = jnp.where(valid, rows, 0)
      y = plsc.load_gather(pos_v, [rows_c * 3 + 1])
      e = jnp.abs(y) * jnp.float32(0.1)
      e = jnp.where(valid, e, jnp.float32(0.0))
      b = b_v[pl.ds(off, _L)]
      b = jnp.where(valid, b, _G - 1)
      mn = jnp.min(b)
      uniform = mn == jnp.max(b)

      @pl.when(uniform)
      def _():
        t = jnp.sum(e)
        plsc.addupdate_scatter(
            z_v, [jnp.zeros((_L,), jnp.int32) + mn],
            jnp.zeros((_L,), jnp.float32) + t, mask=lane0)

      @pl.when(jnp.logical_not(uniform))
      def _():
        for j in range(_L):
          plsc.addupdate_scatter(z_v, [b], e, mask=lanes == j)
      return 0
    lax.fori_loop(0, _VECS, _step, 0)

    pltpu.sync_copy(z_v, acc_sh.at[pl.ds(s * _G, _G)])

    plsc.subcore_barrier()

    _W = _G // _NS
    for k in range(_NS):
      pltpu.async_copy(acc_sh.at[pl.ds(k * _G + s * _W, _W)],
                       r_v.at[pl.ds(k * _W, _W)], sem)
    for k in range(_NS):
      pltpu.make_async_copy(acc_sh.at[pl.ds(k * _G + s * _W, _W)],
                            r_v.at[pl.ds(k * _W, _W)], sem).wait()
    lo = jnp.zeros((_L,), jnp.float32)
    hi = jnp.zeros((_L,), jnp.float32)
    for k in range(_NS):
      lo = lo + r_v[pl.ds(k * _W, _L)]
      hi = hi + r_v[pl.ds(k * _W + _L, _L)]
    z_v[pl.ds(0, _L)] = lo
    z_v[pl.ds(_L, _L)] = hi
    pltpu.sync_copy(z_v.at[pl.ds(0, _W)], energy_hbm.at[pl.ds(s * _W, _W)])

  @pl.when(c == 1)
  def _():
    def _ffill(i, _):
      f_v[pl.ds(i * _L, _L)] = jnp.full((_L,), 0.05, jnp.float32)
      return 0
    lax.fori_loop(0, _FB // _L, _ffill, 0)

    fbase = s * _FPW
    copies = []
    for j in range(9):
      copies.append(pltpu.make_async_copy(
          f_v, forces_hbm.at[pl.ds(fbase + j * _FB, _FB)], sem))

    for cp in copies:
      cp.start()

    @pl.when(s < _NS - 1)
    def _():
      tail = _FPW - 9 * _FB
      pltpu.sync_copy(f_v.at[pl.ds(0, tail)],
                      forces_hbm.at[pl.ds(fbase + 9 * _FB, tail)])

    @pl.when(s == _NS - 1)
    def _():
      tail = _FLAST - 9 * _FB
      pltpu.sync_copy(f_v.at[pl.ds(0, tail)],
                      forces_hbm.at[pl.ds(fbase + 9 * _FB, tail)])

    for cp in copies:
      cp.wait()


def kernel(positions, batch):
  pos_flat = positions.reshape(-1)

  mesh = plsc.VectorSubcoreMesh(
      core_axis_name="c", subcore_axis_name="s",
      num_cores=_NC, num_subcores=_NS)
  sc = pl.kernel(
      _sc_body,
      out_type=(
          jax.ShapeDtypeStruct((_G,), jnp.float32),
          jax.ShapeDtypeStruct((_N * 3,), jnp.float32),
      ),
      mesh=mesh,
      compiler_params=pltpu.CompilerParams(needs_layout_passes=False),
      scratch_types=[
          pltpu.VMEM((_PER_W * 3,), jnp.float32),
          pltpu.VMEM((_PER_W,), jnp.int32),
          pltpu.VMEM((_G,), jnp.float32),
          pltpu.VMEM((_G,), jnp.float32),
          pltpu.VMEM((_FB,), jnp.float32),
          pltpu.SemaphoreType.DMA,
          pltpu.VMEM_SHARED((_NS * _G,), jnp.float32),
      ],
  )
  energies, forces_flat = sc(pos_flat, batch)

  return (energies.reshape(_G, 1), forces_flat.reshape(_N, 3))

# --- scband reference (transcript-rebuilt; emitter-appended) ---
"""Pipeline reference for scband-direct-correction-model-42288247996792 (READ-ONLY COPY).

The authoritative reference and input builder live on the scoring server;
editing this copy changes nothing except your own understanding.
"""

import jax, jax.numpy as jnp
import numpy as np

NUM_GRAPHS = 512
N_NODES = 100000


def setup_inputs(seed: int = 0) -> dict:
    key = jax.random.key(seed)
    k1, k2 = jax.random.split(key)
    positions = jax.random.normal(k1, (N_NODES, 3), dtype=jnp.float32)
    batch = jnp.sort(jax.random.randint(k2, (N_NODES,), 0, NUM_GRAPHS)).astype(jnp.int32)
    return {"positions": positions, "batch": batch}


def reference(positions, batch):
    # node_energy = |positions[:, 1:2]| * 0.1  -> [N, 1]
    node_energy = jnp.abs(positions[:, 1:2]) * 0.1
    # scatter_add_ over dim 0 into [num_graphs, 1] == segment_sum
    energies = jax.ops.segment_sum(node_energy, batch, num_segments=NUM_GRAPHS)
    # torch.full_like(positions, 0.05)
    forces = jnp.full(positions.shape, 0.05, dtype=positions.dtype)
    return (energies, forces)

if __name__ == "__main__":
    import jax
    _d = setup_inputs()
    print(jax.jit(kernel)(*tuple(_d.values())))

</pallas_src>

<mosaic_0001>
#map = affine_map<(d0, d1) -> (0)>
module attributes {stable_mosaic.version = 14 : i64} {
  func.func @_sc_body(%arg0: i32, %arg1: i32, %arg2: memref<300000xf32, #tpu.memory_space<hbm>>, %arg3: memref<100000xi32, #tpu.memory_space<hbm>>, %arg4: memref<512xf32, #tpu.memory_space<hbm>>, %arg5: memref<300000xf32, #tpu.memory_space<hbm>>, %arg6: memref<18768xf32, #tpu.memory_space<vmem>>, %arg7: memref<6256xi32, #tpu.memory_space<vmem>>, %arg8: memref<512xf32, #tpu.memory_space<vmem>>, %arg9: memref<512xf32, #tpu.memory_space<vmem>>, %arg10: memref<2048xf32, #tpu.memory_space<vmem>>, %arg11: memref<!tpu.dma_semaphore, #tpu.memory_space<semaphore_mem>>, %arg12: memref<8192xf32, #tpu.memory_space<vmem_shared>>) attributes {dimension_semantics = [#tpu.dimension_semantics<core_parallel>, #tpu.dimension_semantics<subcore_parallel>], iteration_bounds = array<i64: 2, 16>, scalar_prefetch = 0 : i64, scratch_operands = 7 : i64, tpu.core_type = #tpu.core_type<sc_vector_subcore>, window_params = [{transform_indices = #map}, {transform_indices = #map}, {transform_indices = #map}, {transform_indices = #map}]} {
    %eq3A = arith.constant 0 : i32
    %eq3A_0 = arith.cmpi eq, %arg0, %eq3A : i32
    %convert_element_type3A = arith.extui %eq3A_0 : i1 to i32
    %cond3A = arith.constant 0 : i32
    %cond3A_1 = arith.cmpi ne, %convert_element_type3A, %cond3A : i32
    scf.if %cond3A_1 {
      %mul3A = arith.constant 6256 : i32
      %mul3A_7 = arith.muli %arg1, %mul3A : i32
      %eq3A_8 = arith.constant 15 : i32
      %eq3A_9 = arith.cmpi eq, %arg1, %eq3A_8 : i32
      %jit3A = arith.constant 6160 : i32
      %jit3A_10 = arith.constant 6256 : i32
      %select_n3A = arith.select %eq3A_9, %jit3A, %jit3A_10 : i32
      %lt3A = arith.constant 15 : i32
      %lt3A_11 = arith.cmpi slt, %arg1, %lt3A : i32
      %convert_element_type3A_12 = arith.extui %lt3A_11 : i1 to i32
      %cond3A_13 = arith.constant 0 : i32
      %cond3A_14 = arith.cmpi ne, %convert_element_type3A_12, %cond3A_13 : i32
      scf.if %cond3A_14 {
        %mul3A_468 = arith.constant 3 : i32
        %mul3A_469 = arith.muli %mul3A_7, %mul3A_468 : i32
        %dma_start3A_470 = tpu.memref_slice %arg2[%mul3A_469] : memref<300000xf32, #tpu.memory_space<hbm>> -> memref<18768xf32, #tpu.memory_space<hbm>>
        %dma_start3A_471 = tpu.memref_slice %arg2[%mul3A_469] : memref<300000xf32, #tpu.memory_space<hbm>> -> memref<18768xf32, #tpu.memory_space<hbm>>
        tpu.enqueue_dma source(%dma_start3A_471 : memref<18768xf32, #tpu.memory_space<hbm>>) target(%arg6 : memref<18768xf32, #tpu.memory_space<vmem>>) target_semaphore(%arg11 : memref<!tpu.dma_semaphore, #tpu.memory_space<semaphore_mem>>)
        %dma_start3A_472 = tpu.memref_slice %arg3[%mul3A_7] : memref<100000xi32, #tpu.memory_space<hbm>> -> memref<6256xi32, #tpu.memory_space<hbm>>
        %dma_start3A_473 = tpu.memref_slice %arg3[%mul3A_7] : memref<100000xi32, #tpu.memory_space<hbm>> -> memref<6256xi32, #tpu.memory_space<hbm>>
        tpu.enqueue_dma source(%dma_start3A_473 : memref<6256xi32, #tpu.memory_space<hbm>>) target(%arg7 : memref<6256xi32, #tpu.memory_space<vmem>>) target_semaphore(%arg11 : memref<!tpu.dma_semaphore, #tpu.memory_space<semaphore_mem>>)
      } else {
      }
      %eq3A_15 = arith.constant 15 : i32
      %eq3A_16 = arith.cmpi eq, %arg1, %eq3A_15 : i32
      %convert_element_type3A_17 = arith.extui %eq3A_16 : i1 to i32
      %cond3A_18 = arith.constant 0 : i32
      %cond3A_19 = arith.cmpi ne, %convert_element_type3A_17, %cond3A_18 : i32
      scf.if %cond3A_19 {
        %mul3A_468 = arith.constant 3 : i32
        %mul3A_469 = arith.muli %mul3A_7, %mul3A_468 : i32
        %dma_start3A_470 = arith.constant 0 : i32
        %dma_start3A_471 = tpu.memref_slice %arg6[%dma_start3A_470] : memref<18768xf32, #tpu.memory_space<vmem>> -> memref<18480xf32, #tpu.memory_space<vmem>>
        %dma_start3A_472 = tpu.memref_slice %arg2[%mul3A_469] : memref<300000xf32, #tpu.memory_space<hbm>> -> memref<18480xf32, #tpu.memory_space<hbm>>
        %dma_start3A_473 = arith.constant 0 : i32
        %dma_start3A_474 = tpu.memref_slice %arg6[%dma_start3A_473] : memref<18768xf32, #tpu.memory_space<vmem>> -> memref<18480xf32, #tpu.memory_space<vmem>>
        %dma_start3A_475 = tpu.memref_slice %arg2[%mul3A_469] : memref<300000xf32, #tpu.memory_space<hbm>> -> memref<18480xf32, #tpu.memory_space<hbm>>
        tpu.enqueue_dma source(%dma_start3A_475 : memref<18480xf32, #tpu.memory_space<hbm>>) target(%dma_start3A_474 : memref<18480xf32, #tpu.memory_space<vmem>>) target_semaphore(%arg11 : memref<!tpu.dma_semaphore, #tpu.memory_space<semaphore_mem>>)
        %dma_start3A_476 = arith.constant 0 : i32
        %dma_start3A_477 = tpu.memref_slice %arg7[%dma_start3A_476] : memref<6256xi32, #tpu.memory_space<vmem>> -> memref<6160xi32, #tpu.memory_space<vmem>>
        %dma_start3A_478 = tpu.memref_slice %arg3[%mul3A_7] : memref<100000xi32, #tpu.memory_space<hbm>> -> memref<6160xi32, #tpu.memory_space<hbm>>
        %dma_start3A_479 = arith.constant 0 : i32
        %dma_start3A_480 = tpu.memref_slice %arg7[%dma_start3A_479] : memref<6256xi32, #tpu.memory_space<vmem>> -> memref<6160xi32, #tpu.memory_space<vmem>>
        %dma_start3A_481 = tpu.memref_slice %arg3[%mul3A_7] : memref<100000xi32, #tpu.memory_space<hbm>> -> memref<6160xi32, #tpu.memory_space<hbm>>
        tpu.enqueue_dma source(%dma_start3A_481 : memref<6160xi32, #tpu.memory_space<hbm>>) target(%dma_start3A_480 : memref<6160xi32, #tpu.memory_space<vmem>>) target_semaphore(%arg11 : memref<!tpu.dma_semaphore, #tpu.memory_space<semaphore_mem>>)
      } else {
      }
      %scan3A = arith.constant 0 : i32
      %scan3A_20 = arith.constant 0 : i32
      %scan3A_21 = arith.constant 32 : i32
      %scan3A_22 = arith.addi %scan3A_20, %scan3A_21 : i32
      %scan3A_23 = arith.constant 1 : i32
      %scan3A_24 = scf.for %scan3A_468 = %scan3A_20 to %scan3A_22 step %scan3A_23 iter_args(%scan3A_469 = %scan3A) -> (i32)  : i32 {
        %broadcast_in_dim3A_470 = arith.constant 0.000000e+00 : f32
        %broadcast_in_dim3A_471 = vector.broadcast %broadcast_in_dim3A_470 : f32 to vector<16xf32>
        %mul3A_472 = arith.constant 16 : i32
        %mul3A_473 = arith.muli %scan3A_468, %mul3A_472 : i32
        %swap3A_474 = arith.index_cast %mul3A_473 : i32 to index
        %swap3A_475 = tpu.vector_load %arg8[%swap3A_474] {strides = array<i32>} : memref<512xf32, #tpu.memory_space<vmem>>, vector<16xf32>,
        tpu.vector_store %arg8[%swap3A_474], %broadcast_in_dim3A_471 {strides = array<i32>} : memref<512xf32, #tpu.memory_space<vmem>>, vector<16xf32>,
        %scan3A_476 = arith.constant 0 : i32
        scf.yield %scan3A_476 : i32
      }
      %scan3A_25 = arith.constant 32 : i32
      %lt3A_26 = arith.constant 15 : i32
      %lt3A_27 = arith.cmpi slt, %arg1, %lt3A_26 : i32
      %convert_element_type3A_28 = arith.extui %lt3A_27 : i1 to i32
      %cond3A_29 = arith.constant 0 : i32
      %cond3A_30 = arith.cmpi ne, %convert_element_type3A_28, %cond3A_29 : i32
      scf.if %cond3A_30 {
        %mul3A_468 = arith.constant 3 : i32
        %mul3A_469 = arith.muli %mul3A_7, %mul3A_468 : i32
        %dma_wait3A_470 = tpu.memref_slice %arg2[%mul3A_469] : memref<300000xf32, #tpu.memory_space<hbm>> -> memref<18768xf32, #tpu.memory_space<hbm>>
        %dma_wait3A_471 = tpu.memref_slice %arg2[%mul3A_469] : memref<300000xf32, #tpu.memory_space<hbm>> -> memref<18768xf32, #tpu.memory_space<hbm>>
        tpu.wait_dma2 semaphore(%arg11 : memref<!tpu.dma_semaphore, #tpu.memory_space<semaphore_mem>>) src(%dma_wait3A_471 : memref<18768xf32, #tpu.memory_space<hbm>>) dst(%arg6 : memref<18768xf32, #tpu.memory_space<vmem>>)
        %dma_wait3A_472 = tpu.memref_slice %arg3[%mul3A_7] : memref<100000xi32, #tpu.memory_space<hbm>> -> memref<6256xi32, #tpu.memory_space<hbm>>
        %dma_wait3A_473 = tpu.memref_slice %arg3[%mul3A_7] : memref<100000xi32, #tpu.memory_space<hbm>> -> memref<6256xi32, #tpu.memory_space<hbm>>
        tpu.wait_dma2 semaphore(%arg11 : memref<!tpu.dma_semaphore, #tpu.memory_space<semaphore_mem>>) src(%dma_wait3A_473 : memref<6256xi32, #tpu.memory_space<hbm>>) dst(%arg7 : memref<6256xi32, #tpu.memory_space<vmem>>)
      } else {
      }
      %eq3A_31 = arith.constant 15 : i32
      %eq3A_32 = arith.cmpi eq, %arg1, %eq3A_31 : i32
      %convert_element_type3A_33 = arith.extui %eq3A_32 : i1 to i32
      %cond3A_34 = arith.constant 0 : i32
      %cond3A_35 = arith.cmpi ne, %convert_element_type3A_33, %cond3A_34 : i32
      scf.if %cond3A_35 {
        %mul3A_468 = arith.constant 3 : i32
        %mul3A_469 = arith.muli %mul3A_7, %mul3A_468 : i32
        %dma_wait3A_470 = arith.constant 0 : i32
        %dma_wait3A_471 = tpu.memref_slice %arg6[%dma_wait3A_470] : memref<18768xf32, #tpu.memory_space<vmem>> -> memref<18480xf32, #tpu.memory_space<vmem>>
        %dma_wait3A_472 = tpu.memref_slice %arg2[%mul3A_469] : memref<300000xf32, #tpu.memory_space<hbm>> -> memref<18480xf32, #tpu.memory_space<hbm>>
        %dma_wait3A_473 = arith.constant 0 : i32
        %dma_wait3A_474 = tpu.memref_slice %arg6[%dma_wait3A_473] : memref<18768xf32, #tpu.memory_space<vmem>> -> memref<18480xf32, #tpu.memory_space<vmem>>
        %dma_wait3A_475 = tpu.memref_slice %arg2[%mul3A_469] : memref<300000xf32, #tpu.memory_space<hbm>> -> memref<18480xf32, #tpu.memory_space<hbm>>
        tpu.wait_dma2 semaphore(%arg11 : memref<!tpu.dma_semaphore, #tpu.memory_space<semaphore_mem>>) src(%dma_wait3A_475 : memref<18480xf32, #tpu.memory_space<hbm>>) dst(%dma_wait3A_474 : memref<18480xf32, #tpu.memory_space<vmem>>)
        %dma_wait3A_476 = arith.constant 0 : i32
        %dma_wait3A_477 = tpu.memref_slice %arg7[%dma_wait3A_476] : memref<6256xi32, #tpu.memory_space<vmem>> -> memref<6160xi32, #tpu.memory_space<vmem>>
        %dma_wait3A_478 = tpu.memref_slice %arg3[%mul3A_7] : memref<100000xi32, #tpu.memory_space<hbm>> -> memref<6160xi32, #tpu.memory_space<hbm>>
        %dma_wait3A_479 = arith.constant 0 : i32
        %dma_wait3A_480 = tpu.memref_slice %arg7[%dma_wait3A_479] : memref<6256xi32, #tpu.memory_space<vmem>> -> memref<6160xi32, #tpu.memory_space<vmem>>
        %dma_wait3A_481 = tpu.memref_slice %arg3[%mul3A_7] : memref<100000xi32, #tpu.memory_space<hbm>> -> memref<6160xi32, #tpu.memory_space<hbm>>
        tpu.wait_dma2 semaphore(%arg11 : memref<!tpu.dma_semaphore, #tpu.memory_space<semaphore_mem>>) src(%dma_wait3A_481 : memref<6160xi32, #tpu.memory_space<hbm>>) dst(%dma_wait3A_480 : memref<6160xi32, #tpu.memory_space<vmem>>)
      } else {
      }
      %iota3A = tpu.iota {dimensions = array<i32: 0>} : vector<16xi32>
      %eq3A_36 = arith.constant 0 : i32
      %eq3A_37 = vector.broadcast %eq3A_36 : i32 to vector<16xi32>
      %eq3A_38 = arith.cmpi eq, %iota3A, %eq3A_37 : vector<16xi32>
      %scan3A_39 = arith.constant 0 : i32
      %scan3A_40 = arith.constant 0 : i32
      %scan3A_41 = arith.constant 391 : i32
      %scan3A_42 = arith.addi %scan3A_40, %scan3A_41 : i32
      %scan3A_43 = arith.constant 1 : i32
      %scan3A_44 = scf.for %scan3A_468 = %scan3A_40 to %scan3A_42 step %scan3A_43 iter_args(%scan3A_469 = %scan3A_39) -> (i32)  : i32 {
        %mul3A_470 = arith.constant 16 : i32
        %mul3A_471 = arith.muli %scan3A_468, %mul3A_470 : i32
        %add3A_472 = vector.broadcast %mul3A_471 : i32 to vector<16xi32>
        %add3A_473 = arith.addi %add3A_472, %iota3A : vector<16xi32>
        %lt3A_474 = vector.broadcast %select_n3A : i32 to vector<16xi32>
        %lt3A_475 = arith.cmpi slt, %add3A_473, %lt3A_474 : vector<16xi32>
        %jit3A_476 = arith.constant 0 : i32
        %broadcast_in_dim3A_477 = vector.broadcast %jit3A_476 : i32 to vector<16xi32>
        %select_n3A_478 = arith.select %lt3A_475, %add3A_473, %broadcast_in_dim3A_477 : vector<16xi1>, vector<16xi32>
        %mul3A_479 = arith.constant 3 : i32
        %mul3A_480 = vector.broadcast %mul3A_479 : i32 to vector<16xi32>
        %mul3A_481 = arith.muli %select_n3A_478, %mul3A_480 : vector<16xi32>
        %add3A_482 = arith.constant 1 : i32
        %add3A_483 = vector.broadcast %add3A_482 : i32 to vector<16xi32>
        %add3A_484 = arith.addi %mul3A_481, %add3A_483 : vector<16xi32>
        %gather3A = tpu.vector_load_idx %arg6[%add3A_484] : memref<18768xf32, #tpu.memory_space<vmem>>[vector<16xi32>], vector<16xf32>,
        %abs3A = math.absf %gather3A : vector<16xf32>
        %mul3A_485 = arith.constant 1.000000e-01 : f32
        %mul3A_486 = vector.broadcast %mul3A_485 : f32 to vector<16xf32>
        %mul3A_487 = arith.mulf %abs3A, %mul3A_486 : vector<16xf32>
        %jit3A_488 = arith.constant 0.000000e+00 : f32
        %broadcast_in_dim3A_489 = vector.broadcast %jit3A_488 : f32 to vector<16xf32>
        %select_n3A_490 = arith.select %lt3A_475, %mul3A_487, %broadcast_in_dim3A_489 : vector<16xi1>, vector<16xf32>
        %get3A_491 = arith.index_cast %mul3A_471 : i32 to index
        %get3A_492 = tpu.vector_load %arg7[%get3A_491] {strides = array<i32>} : memref<6256xi32, #tpu.memory_space<vmem>>, vector<16xi32>,
        %jit3A_493 = arith.constant 511 : i32
        %broadcast_in_dim3A_494 = vector.broadcast %jit3A_493 : i32 to vector<16xi32>
        %select_n3A_495 = arith.select %lt3A_475, %get3A_492, %broadcast_in_dim3A_494 : vector<16xi1>, vector<16xi32>
        %reduce_min3A = arith.constant true
        %reduce_min3A_496 = vector.broadcast %reduce_min3A : i1 to vector<16xi1>
        %reduce_min3A_497 = arith.constant -2147483648 : i32
        %reduce_min3A_498 = vector.broadcast %reduce_min3A_497 : i32 to vector<16xi32>
        %reduce_min3A_499 = arith.xori %select_n3A_495, %reduce_min3A_498 : vector<16xi32>
        %reduce_min3A_500 = tpu.scan <min>, %reduce_min3A_499 masked %reduce_min3A_496 : vector<16xi32>, vector<16xi1> -> vector<16xi32>
        %reduce_min3A_501 = arith.xori %reduce_min3A_500, %reduce_min3A_498 : vector<16xi32>
        %reduce_min3A_502 = vector.extract %reduce_min3A_501[15] : i32 from vector<16xi32>
        %reduce_max3A = arith.constant true
        %reduce_max3A_503 = vector.broadcast %reduce_max3A : i1 to vector<16xi1>
        %reduce_max3A_504 = arith.constant -2147483648 : i32
        %reduce_max3A_505 = vector.broadcast %reduce_max3A_504 : i32 to vector<16xi32>
        %reduce_max3A_506 = arith.xori %select_n3A_495, %reduce_max3A_505 : vector<16xi32>
        %reduce_max3A_507 = tpu.scan <max>, %reduce_max3A_506 masked %reduce_max3A_503 : vector<16xi32>, vector<16xi1> -> vector<16xi32>
        %reduce_max3A_508 = arith.xori %reduce_max3A_507, %reduce_max3A_505 : vector<16xi32>
        %reduce_max3A_509 = vector.extract %reduce_max3A_508[15] : i32 from vector<16xi32>
        %eq3A_510 = arith.cmpi eq, %reduce_min3A_502, %reduce_max3A_509 : i32
        %convert_element_type3A_511 = arith.extui %eq3A_510 : i1 to i32
        %cond3A_512 = arith.constant 0 : i32
        %cond3A_513 = arith.cmpi ne, %convert_element_type3A_511, %cond3A_512 : i32
        scf.if %cond3A_513 {
          %reduce_sum3A = arith.constant true
          %reduce_sum3A_519 = vector.broadcast %reduce_sum3A : i1 to vector<16xi1>
          %reduce_sum3A_520 = tpu.scan <sum>, %select_n3A_490 masked %reduce_sum3A_519 : vector<16xf32>, vector<16xi1> -> vector<16xf32>
          %reduce_sum3A_521 = vector.extract %reduce_sum3A_520[15] : f32 from vector<16xf32>
          %broadcast_in_dim3A_522 = arith.constant 0 : i32
          %broadcast_in_dim3A_523 = vector.broadcast %broadcast_in_dim3A_522 : i32 to vector<16xi32>
          %add3A_524 = vector.broadcast %reduce_min3A_502 : i32 to vector<16xi32>
          %add3A_525 = arith.addi %broadcast_in_dim3A_523, %add3A_524 : vector<16xi32>
          %broadcast_in_dim3A_526 = arith.constant 0.000000e+00 : f32
          %broadcast_in_dim3A_527 = vector.broadcast %broadcast_in_dim3A_526 : f32 to vector<16xf32>
          %add3A_528 = vector.broadcast %reduce_sum3A_521 : f32 to vector<16xf32>
          %add3A_529 = arith.addf %broadcast_in_dim3A_527, %add3A_528 : vector<16xf32>
          tpu.vector_store_idx %arg8[%add3A_525], %add3A_529 masked %eq3A_38 {add = true} : memref<512xf32, #tpu.memory_space<vmem>>[vector<16xi32>], vector<16xf32>, vector<16xi1>
        } else {
        }
        %not3A = arith.constant true
        %not3A_514 = arith.xori %eq3A_510, %not3A : i1
        %convert_element_type3A_515 = arith.extui %not3A_514 : i1 to i32
        %cond3A_516 = arith.constant 0 : i32
        %cond3A_517 = arith.cmpi ne, %convert_element_type3A_515, %cond3A_516 : i32
        scf.if %cond3A_517 {
          %eq3A_519 = arith.constant 0 : i32
          %eq3A_520 = vector.broadcast %eq3A_519 : i32 to vector<16xi32>
          %eq3A_521 = arith.cmpi eq, %iota3A, %eq3A_520 : vector<16xi32>
          tpu.vector_store_idx %arg8[%select_n3A_495], %select_n3A_490 masked %eq3A_521 {add = true} : memref<512xf32, #tpu.memory_space<vmem>>[vector<16xi32>], vector<16xf32>, vector<16xi1>
          %eq3A_522 = arith.constant 1 : i32
          %eq3A_523 = vector.broadcast %eq3A_522 : i32 to vector<16xi32>
          %eq3A_524 = arith.cmpi eq, %iota3A, %eq3A_523 : vector<16xi32>
          tpu.vector_store_idx %arg8[%select_n3A_495], %select_n3A_490 masked %eq3A_524 {add = true} : memref<512xf32, #tpu.memory_space<vmem>>[vector<16xi32>], vector<16xf32>, vector<16xi1>
          %eq3A_525 = arith.constant 2 : i32
          %eq3A_526 = vector.broadcast %eq3A_525 : i32 to vector<16xi32>
          %eq3A_527 = arith.cmpi eq, %iota3A, %eq3A_526 : vector<16xi32>
          tpu.vector_store_idx %arg8[%select_n3A_495], %select_n3A_490 masked %eq3A_527 {add = true} : memref<512xf32, #tpu.memory_space<vmem>>[vector<16xi32>], vector<16xf32>, vector<16xi1>
          %eq3A_528 = arith.constant 3 : i32
          %eq3A_529 = vector.broadcast %eq3A_528 : i32 to vector<16xi32>
          %eq3A_530 = arith.cmpi eq, %iota3A, %eq3A_529 : vector<16xi32>
          tpu.vector_store_idx %arg8[%select_n3A_495], %select_n3A_490 masked %eq3A_530 {add = true} : memref<512xf32, #tpu.memory_space<vmem>>[vector<16xi32>], vector<16xf32>, vector<16xi1>
          %eq3A_531 = arith.constant 4 : i32
          %eq3A_532 = vector.broadcast %eq3A_531 : i32 to vector<16xi32>
          %eq3A_533 = arith.cmpi eq, %iota3A, %eq3A_532 : vector<16xi32>
          tpu.vector_store_idx %arg8[%select_n3A_495], %select_n3A_490 masked %eq3A_533 {add = true} : memref<512xf32, #tpu.memory_space<vmem>>[vector<16xi32>], vector<16xf32>, vector<16xi1>
          %eq3A_534 = arith.constant 5 : i32
          %eq3A_535 = vector.broadcast %eq3A_534 : i32 to vector<16xi32>
          %eq3A_536 = arith.cmpi eq, %iota3A, %eq3A_535 : vector<16xi32>
          tpu.vector_store_idx %arg8[%select_n3A_495], %select_n3A_490 masked %eq3A_536 {add = true} : memref<512xf32, #tpu.memory_space<vmem>>[vector<16xi32>], vector<16xf32>, vector<16xi1>
          %eq3A_537 = arith.constant 6 : i32
          %eq3A_538 = vector.broadcast %eq3A_537 : i32 to vector<16xi32>
          %eq3A_539 = arith.cmpi eq, %iota3A, %eq3A_538 : vector<16xi32>
          tpu.vector_store_idx %arg8[%select_n3A_495], %select_n3A_490 masked %eq3A_539 {add = true} : memref<512xf32, #tpu.memory_space<vmem>>[vector<16xi32>], vector<16xf32>, vector<16xi1>
          %eq3A_540 = arith.constant 7 : i32
          %eq3A_541 = vector.broadcast %eq3A_540 : i32 to vector<16xi32>
          %eq3A_542 = arith.cmpi eq, %iota3A, %eq3A_541 : vector<16xi32>
          tpu.vector_store_idx %arg8[%select_n3A_495], %select_n3A_490 masked %eq3A_542 {add = true} : memref<512xf32, #tpu.memory_space<vmem>>[vector<16xi32>], vector<16xf32>, vector<16xi1>
          %eq3A_543 = arith.constant 8 : i32
          %eq3A_544 = vector.broadcast %eq3A_543 : i32 to vector<16xi32>
          %eq3A_545 = arith.cmpi eq, %iota3A, %eq3A_544 : vector<16xi32>
          tpu.vector_store_idx %arg8[%select_n3A_495], %select_n3A_490 masked %eq3A_545 {add = true} : memref<512xf32, #tpu.memory_space<vmem>>[vector<16xi32>], vector<16xf32>, vector<16xi1>
          %eq3A_546 = arith.constant 9 : i32
          %eq3A_547 = vector.broadcast %eq3A_546 : i32 to vector<16xi32>
          %eq3A_548 = arith.cmpi eq, %iota3A, %eq3A_547 : vector<16xi32>
          tpu.vector_store_idx %arg8[%select_n3A_495], %select_n3A_490 masked %eq3A_548 {add = true} : memref<512xf32, #tpu.memory_space<vmem>>[vector<16xi32>], vector<16xf32>, vector<16xi1>
          %eq3A_549 = arith.constant 10 : i32
          %eq3A_550 = vector.broadcast %eq3A_549 : i32 to vector<16xi32>
          %eq3A_551 = arith.cmpi eq, %iota3A, %eq3A_550 : vector<16xi32>
          tpu.vector_store_idx %arg8[%select_n3A_495], %select_n3A_490 masked %eq3A_551 {add = true} : memref<512xf32, #tpu.memory_space<vmem>>[vector<16xi32>], vector<16xf32>, vector<16xi1>
          %eq3A_552 = arith.constant 11 : i32
          %eq3A_553 = vector.broadcast %eq3A_552 : i32 to vector<16xi32>
          %eq3A_554 = arith.cmpi eq, %iota3A, %eq3A_553 : vector<16xi32>
          tpu.vector_store_idx %arg8[%select_n3A_495], %select_n3A_490 masked %eq3A_554 {add = true} : memref<512xf32, #tpu.memory_space<vmem>>[vector<16xi32>], vector<16xf32>, vector<16xi1>
          %eq3A_555 = arith.constant 12 : i32
          %eq3A_556 = vector.broadcast %eq3A_555 : i32 to vector<16xi32>
          %eq3A_557 = arith.cmpi eq, %iota3A, %eq3A_556 : vector<16xi32>
          tpu.vector_store_idx %arg8[%select_n3A_495], %select_n3A_490 masked %eq3A_557 {add = true} : memref<512xf32, #tpu.memory_space<vmem>>[vector<16xi32>], vector<16xf32>, vector<16xi1>
          %eq3A_558 = arith.constant 13 : i32
          %eq3A_559 = vector.broadcast %eq3A_558 : i32 to vector<16xi32>
          %eq3A_560 = arith.cmpi eq, %iota3A, %eq3A_559 : vector<16xi32>
          tpu.vector_store_idx %arg8[%select_n3A_495], %select_n3A_490 masked %eq3A_560 {add = true} : memref<512xf32, #tpu.memory_space<vmem>>[vector<16xi32>], vector<16xf32>, vector<16xi1>
          %eq3A_561 = arith.constant 14 : i32
          %eq3A_562 = vector.broadcast %eq3A_561 : i32 to vector<16xi32>
          %eq3A_563 = arith.cmpi eq, %iota3A, %eq3A_562 : vector<16xi32>
          tpu.vector_store_idx %arg8[%select_n3A_495], %select_n3A_490 masked %eq3A_563 {add = true} : memref<512xf32, #tpu.memory_space<vmem>>[vector<16xi32>], vector<16xf32>, vector<16xi1>
          %eq3A_564 = arith.constant 15 : i32
          %eq3A_565 = vector.broadcast %eq3A_564 : i32 to vector<16xi32>
          %eq3A_566 = arith.cmpi eq, %iota3A, %eq3A_565 : vector<16xi32>
          tpu.vector_store_idx %arg8[%select_n3A_495], %select_n3A_490 masked %eq3A_566 {add = true} : memref<512xf32, #tpu.memory_space<vmem>>[vector<16xi32>], vector<16xf32>, vector<16xi1>
        } else {
        }
        %scan3A_518 = arith.constant 0 : i32
        scf.yield %scan3A_518 : i32
      }
      %scan3A_45 = arith.constant 391 : i32
      %mul3A_46 = arith.constant 512 : i32
      %mul3A_47 = arith.muli %arg1, %mul3A_46 : i32
      "tpu.region"() ({
        %run_scoped3A = tpu.sem_alloc : memref<!tpu.dma_semaphore, #tpu.memory_space<semaphore_mem>>
        %dma_start3A_468 = tpu.memref_slice %arg12[%mul3A_47] : memref<8192xf32, #tpu.memory_space<vmem_shared>> -> memref<512xf32, #tpu.memory_space<vmem_shared>>
        %dma_start3A_469 = tpu.memref_slice %arg12[%mul3A_47] : memref<8192xf32, #tpu.memory_space<vmem_shared>> -> memref<512xf32, #tpu.memory_space<vmem_shared>>
        tpu.enqueue_dma source(%arg8 : memref<512xf32, #tpu.memory_space<vmem>>) target(%dma_start3A_469 : memref<512xf32, #tpu.memory_space<vmem_shared>>) target_semaphore(%run_scoped3A : memref<!tpu.dma_semaphore, #tpu.memory_space<semaphore_mem>>)
        %dma_wait3A_470 = tpu.memref_slice %arg12[%mul3A_47] : memref<8192xf32, #tpu.memory_space<vmem_shared>> -> memref<512xf32, #tpu.memory_space<vmem_shared>>
        %dma_wait3A_471 = tpu.memref_slice %arg12[%mul3A_47] : memref<8192xf32, #tpu.memory_space<vmem_shared>> -> memref<512xf32, #tpu.memory_space<vmem_shared>>
        tpu.wait_dma2 semaphore(%run_scoped3A : memref<!tpu.dma_semaphore, #tpu.memory_space<semaphore_mem>>) src(%arg8 : memref<512xf32, #tpu.memory_space<vmem>>) dst(%dma_wait3A_471 : memref<512xf32, #tpu.memory_space<vmem_shared>>)
        tpu.yield
      }) : () -> ()
      %barrier3A = arith.constant 0 : index
      tpu.barrier barrier_id(%barrier3A)
      %mul3A_48 = arith.constant 32 : i32
      %mul3A_49 = arith.muli %arg1, %mul3A_48 : i32
      %add3A = arith.constant 0 : i32
      %add3A_50 = arith.addi %add3A, %mul3A_49 : i32
      %dma_start3A = arith.constant 0 : i32
      %dma_start3A_51 = tpu.memref_slice %arg9[%dma_start3A] : memref<512xf32, #tpu.memory_space<vmem>> -> memref<32xf32, #tpu.memory_space<vmem>>
      %dma_start3A_52 = tpu.memref_slice %arg12[%add3A_50] : memref<8192xf32, #tpu.memory_space<vmem_shared>> -> memref<32xf32, #tpu.memory_space<vmem_shared>>
      %dma_start3A_53 = arith.constant 0 : i32
      %dma_start3A_54 = tpu.memref_slice %arg9[%dma_start3A_53] : memref<512xf32, #tpu.memory_space<vmem>> -> memref<32xf32, #tpu.memory_space<vmem>>
      %dma_start3A_55 = tpu.memref_slice %arg12[%add3A_50] : memref<8192xf32, #tpu.memory_space<vmem_shared>> -> memref<32xf32, #tpu.memory_space<vmem_shared>>
      tpu.enqueue_dma source(%dma_start3A_55 : memref<32xf32, #tpu.memory_space<vmem_shared>>) target(%dma_start3A_54 : memref<32xf32, #tpu.memory_space<vmem>>) target_semaphore(%arg11 : memref<!tpu.dma_semaphore, #tpu.memory_space<semaphore_mem>>)
      %mul3A_56 = arith.constant 32 : i32
      %mul3A_57 = arith.muli %arg1, %mul3A_56 : i32
      %add3A_58 = arith.constant 512 : i32
      %add3A_59 = arith.addi %add3A_58, %mul3A_57 : i32
      %dma_start3A_60 = arith.constant 32 : i32
      %dma_start3A_61 = tpu.memref_slice %arg9[%dma_start3A_60] : memref<512xf32, #tpu.memory_space<vmem>> -> memref<32xf32, #tpu.memory_space<vmem>>
      %dma_start3A_62 = tpu.memref_slice %arg12[%add3A_59] : memref<8192xf32, #tpu.memory_space<vmem_shared>> -> memref<32xf32, #tpu.memory_space<vmem_shared>>
      %dma_start3A_63 = arith.constant 32 : i32
      %dma_start3A_64 = tpu.memref_slice %arg9[%dma_start3A_63] : memref<512xf32, #tpu.memory_space<vmem>> -> memref<32xf32, #tpu.memory_space<vmem>>
      %dma_start3A_65 = tpu.memref_slice %arg12[%add3A_59] : memref<8192xf32, #tpu.memory_space<vmem_shared>> -> memref<32xf32, #tpu.memory_space<vmem_shared>>
      tpu.enqueue_dma source(%dma_start3A_65 : memref<32xf32, #tpu.memory_space<vmem_shared>>) target(%dma_start3A_64 : memref<32xf32, #tpu.memory_space<vmem>>) target_semaphore(%arg11 : memref<!tpu.dma_semaphore, #tpu.memory_space<semaphore_mem>>)
      %mul3A_66 = arith.constant 32 : i32
      %mul3A_67 = arith.muli %arg1, %mul3A_66 : i32
      %add3A_68 = arith.constant 1024 : i32
      %add3A_69 = arith.addi %add3A_68, %mul3A_67 : i32
      %dma_start3A_70 = arith.constant 64 : i32
      %dma_start3A_71 = tpu.memref_slice %arg9[%dma_start3A_70] : memref<512xf32, #tpu.memory_space<vmem>> -> memref<32xf32, #tpu.memory_space<vmem>>
      %dma_start3A_72 = tpu.memref_slice %arg12[%add3A_69] : memref<8192xf32, #tpu.memory_space<vmem_shared>> -> memref<32xf32, #tpu.memory_space<vmem_shared>>
      %dma_start3A_73 = arith.constant 64 : i32
      %dma_start3A_74 = tpu.memref_slice %arg9[%dma_start3A_73] : memref<512xf32, #tpu.memory_space<vmem>> -> memref<32xf32, #tpu.memory_space<vmem>>
      %dma_start3A_75 = tpu.memref_slice %arg12[%add3A_69] : memref<8192xf32, #tpu.memory_space<vmem_shared>> -> memref<32xf32, #tpu.memory_space<vmem_shared>>
      tpu.enqueue_dma source(%dma_start3A_75 : memref<32xf32, #tpu.memory_space<vmem_shared>>) target(%dma_start3A_74 : memref<32xf32, #tpu.memory_space<vmem>>) target_semaphore(%arg11 : memref<!tpu.dma_semaphore, #tpu.memory_space<semaphore_mem>>)
      %mul3A_76 = arith.constant 32 : i32
      %mul3A_77 = arith.muli %arg1, %mul3A_76 : i32
      %add3A_78 = arith.constant 1536 : i32
      %add3A_79 = arith.addi %add3A_78, %mul3A_77 : i32
      %dma_start3A_80 = arith.constant 96 : i32
      %dma_start3A_81 = tpu.memref_slice %arg9[%dma_start3A_80] : memref<512xf32, #tpu.memory_space<vmem>> -> memref<32xf32, #tpu.memory_space<vmem>>
      %dma_start3A_82 = tpu.memref_slice %arg12[%add3A_79] : memref<8192xf32, #tpu.memory_space<vmem_shared>> -> memref<32xf32, #tpu.memory_space<vmem_shared>>
      %dma_start3A_83 = arith.constant 96 : i32
      %dma_start3A_84 = tpu.memref_slice %arg9[%dma_start3A_83] : memref<512xf32, #tpu.memory_space<vmem>> -> memref<32xf32, #tpu.memory_space<vmem>>
      %dma_start3A_85 = tpu.memref_slice %arg12[%add3A_79] : memref<8192xf32, #tpu.memory_space<vmem_shared>> -> memref<32xf32, #tpu.memory_space<vmem_shared>>
      tpu.enqueue_dma source(%dma_start3A_85 : memref<32xf32, #tpu.memory_space<vmem_shared>>) target(%dma_start3A_84 : memref<32xf32, #tpu.memory_space<vmem>>) target_semaphore(%arg11 : memref<!tpu.dma_semaphore, #tpu.memory_space<semaphore_mem>>)
      %mul3A_86 = arith.constant 32 : i32
      %mul3A_87 = arith.muli %arg1, %mul3A_86 : i32
      %add3A_88 = arith.constant 2048 : i32
      %add3A_89 = arith.addi %add3A_88, %mul3A_87 : i32
      %dma_start3A_90 = arith.constant 128 : i32
      %dma_start3A_91 = tpu.memref_slice %arg9[%dma_start3A_90] : memref<512xf32, #tpu.memory_space<vmem>> -> memref<32xf32, #tpu.memory_space<vmem>>
      %dma_start3A_92 = tpu.memref_slice %arg12[%add3A_89] : memref<8192xf32, #tpu.memory_space<vmem_shared>> -> memref<32xf32, #tpu.memory_space<vmem_shared>>
      %dma_start3A_93 = arith.constant 128 : i32
      %dma_start3A_94 = tpu.memref_slice %arg9[%dma_start3A_93] : memref<512xf32, #tpu.memory_space<vmem>> -> memref<32xf32, #tpu.memory_space<vmem>>
      %dma_start3A_95 = tpu.memref_slice %arg12[%add3A_89] : memref<8192xf32, #tpu.memory_space<vmem_shared>> -> memref<32xf32, #tpu.memory_space<vmem_shared>>
      tpu.enqueue_dma source(%dma_start3A_95 : memref<32xf32, #tpu.memory_space<vmem_shared>>) target(%dma_start3A_94 : memref<32xf32, #tpu.memory_space<vmem>>) target_semaphore(%arg11 : memref<!tpu.dma_semaphore, #tpu.memory_space<semaphore_mem>>)
      %mul3A_96 = arith.constant 32 : i32
      %mul3A_97 = arith.muli %arg1, %mul3A_96 : i32
      %add3A_98 = arith.constant 2560 : i32
      %add3A_99 = arith.addi %add3A_98, %mul3A_97 : i32
      %dma_start3A_100 = arith.constant 160 : i32
      %dma_start3A_101 = tpu.memref_slice %arg9[%dma_start3A_100] : memref<512xf32, #tpu.memory_space<vmem>> -> memref<32xf32, #tpu.memory_space<vmem>>
      %dma_start3A_102 = tpu.memref_slice %arg12[%add3A_99] : memref<8192xf32, #tpu.memory_space<vmem_shared>> -> memref<32xf32, #tpu.memory_space<vmem_shared>>
      %dma_start3A_103 = arith.constant 160 : i32
      %dma_start3A_104 = tpu.memref_slice %arg9[%dma_start3A_103] : memref<512xf32, #tpu.memory_space<vmem>> -> memref<32xf32, #tpu.memory_space<vmem>>
      %dma_start3A_105 = tpu.memref_slice %arg12[%add3A_99] : memref<8192xf32, #tpu.memory_space<vmem_shared>> -> memref<32xf32, #tpu.memory_space<vmem_shared>>
      tpu.enqueue_dma source(%dma_start3A_105 : memref<32xf32, #tpu.memory_space<vmem_shared>>) target(%dma_start3A_104 : memref<32xf32, #tpu.memory_space<vmem>>) target_semaphore(%arg11 : memref<!tpu.dma_semaphore, #tpu.memory_space<semaphore_mem>>)
      %mul3A_106 = arith.constant 32 : i32
      %mul3A_107 = arith.muli %arg1, %mul3A_106 : i32
      %add3A_108 = arith.constant 3072 : i32
      %add3A_109 = arith.addi %add3A_108, %mul3A_107 : i32
      %dma_start3A_110 = arith.constant 192 : i32
      %dma_start3A_111 = tpu.memref_slice %arg9[%dma_start3A_110] : memref<512xf32, #tpu.memory_space<vmem>> -> memref<32xf32, #tpu.memory_space<vmem>>
      %dma_start3A_112 = tpu.memref_slice %arg12[%add3A_109] : memref<8192xf32, #tpu.memory_space<vmem_shared>> -> memref<32xf32, #tpu.memory_space<vmem_shared>>
      %dma_start3A_113 = arith.constant 192 : i32
      %dma_start3A_114 = tpu.memref_slice %arg9[%dma_start3A_113] : memref<512xf32, #tpu.memory_space<vmem>> -> memref<32xf32, #tpu.memory_space<vmem>>
      %dma_start3A_115 = tpu.memref_slice %arg12[%add3A_109] : memref<8192xf32, #tpu.memory_space<vmem_shared>> -> memref<32xf32, #tpu.memory_space<vmem_shared>>
      tpu.enqueue_dma source(%dma_start3A_115 : memref<32xf32, #tpu.memory_space<vmem_shared>>) target(%dma_start3A_114 : memref<32xf32, #tpu.memory_space<vmem>>) target_semaphore(%arg11 : memref<!tpu.dma_semaphore, #tpu.memory_space<semaphore_mem>>)
      %mul3A_116 = arith.constant 32 : i32
      %mul3A_117 = arith.muli %arg1, %mul3A_116 : i32
      %add3A_118 = arith.constant 3584 : i32
      %add3A_119 = arith.addi %add3A_118, %mul3A_117 : i32
      %dma_start3A_120 = arith.constant 224 : i32
      %dma_start3A_121 = tpu.memref_slice %arg9[%dma_start3A_120] : memref<512xf32, #tpu.memory_space<vmem>> -> memref<32xf32, #tpu.memory_space<vmem>>
      %dma_start3A_122 = tpu.memref_slice %arg12[%add3A_119] : memref<8192xf32, #tpu.memory_space<vmem_shared>> -> memref<32xf32, #tpu.memory_space<vmem_shared>>
      %dma_start3A_123 = arith.constant 224 : i32
      %dma_start3A_124 = tpu.memref_slice %arg9[%dma_start3A_123] : memref<512xf32, #tpu.memory_space<vmem>> -> memref<32xf32, #tpu.memory_space<vmem>>
      %dma_start3A_125 = tpu.memref_slice %arg12[%add3A_119] : memref<8192xf32, #tpu.memory_space<vmem_shared>> -> memref<32xf32, #tpu.memory_space<vmem_shared>>
      tpu.enqueue_dma source(%dma_start3A_125 : memref<32xf32, #tpu.memory_space<vmem_shared>>) target(%dma_start3A_124 : memref<32xf32, #tpu.memory_space<vmem>>) target_semaphore(%arg11 : memref<!tpu.dma_semaphore, #tpu.memory_space<semaphore_mem>>)
      %mul3A_126 = arith.constant 32 : i32
      %mul3A_127 = arith.muli %arg1, %mul3A_126 : i32
      %add3A_128 = arith.constant 4096 : i32
      %add3A_129 = arith.addi %add3A_128, %mul3A_127 : i32
      %dma_start3A_130 = arith.constant 256 : i32
      %dma_start3A_131 = tpu.memref_slice %arg9[%dma_start3A_130] : memref<512xf32, #tpu.memory_space<vmem>> -> memref<32xf32, #tpu.memory_space<vmem>>
      %dma_start3A_132 = tpu.memref_slice %arg12[%add3A_129] : memref<8192xf32, #tpu.memory_space<vmem_shared>> -> memref<32xf32, #tpu.memory_space<vmem_shared>>
      %dma_start3A_133 = arith.constant 256 : i32
      %dma_start3A_134 = tpu.memref_slice %arg9[%dma_start3A_133] : memref<512xf32, #tpu.memory_space<vmem>> -> memref<32xf32, #tpu.memory_space<vmem>>
      %dma_start3A_135 = tpu.memref_slice %arg12[%add3A_129] : memref<8192xf32, #tpu.memory_space<vmem_shared>> -> memref<32xf32, #tpu.memory_space<vmem_shared>>
      tpu.enqueue_dma source(%dma_start3A_135 : memref<32xf32, #tpu.memory_space<vmem_shared>>) target(%dma_start3A_134 : memref<32xf32, #tpu.memory_space<vmem>>) target_semaphore(%arg11 : memref<!tpu.dma_semaphore, #tpu.memory_space<semaphore_mem>>)
      %mul3A_136 = arith.constant 32 : i32
      %mul3A_137 = arith.muli %arg1, %mul3A_136 : i32
      %add3A_138 = arith.constant 4608 : i32
      %add3A_139 = arith.addi %add3A_138, %mul3A_137 : i32
      %dma_start3A_140 = arith.constant 288 : i32
      %dma_start3A_141 = tpu.memref_slice %arg9[%dma_start3A_140] : memref<512xf32, #tpu.memory_space<vmem>> -> memref<32xf32, #tpu.memory_space<vmem>>
      %dma_start3A_142 = tpu.memref_slice %arg12[%add3A_139] : memref<8192xf32, #tpu.memory_space<vmem_shared>> -> memref<32xf32, #tpu.memory_space<vmem_shared>>
      %dma_start3A_143 = arith.constant 288 : i32
      %dma_start3A_144 = tpu.memref_slice %arg9[%dma_start3A_143] : memref<512xf32, #tpu.memory_space<vmem>> -> memref<32xf32, #tpu.memory_space<vmem>>
      %dma_start3A_145 = tpu.memref_slice %arg12[%add3A_139] : memref<8192xf32, #tpu.memory_space<vmem_shared>> -> memref<32xf32, #tpu.memory_space<vmem_shared>>
      tpu.enqueue_dma source(%dma_start3A_145 : memref<32xf32, #tpu.memory_space<vmem_shared>>) target(%dma_start3A_144 : memref<32xf32, #tpu.memory_space<vmem>>) target_semaphore(%arg11 : memref<!tpu.dma_semaphore, #tpu.memory_space<semaphore_mem>>)
      %mul3A_146 = arith.constant 32 : i32
      %mul3A_147 = arith.muli %arg1, %mul3A_146 : i32
      %add3A_148 = arith.constant 5120 : i32
      %add3A_149 = arith.addi %add3A_148, %mul3A_147 : i32
      %dma_start3A_150 = arith.constant 320 : i32
      %dma_start3A_151 = tpu.memref_slice %arg9[%dma_start3A_150] : memref<512xf32, #tpu.memory_space<vmem>> -> memref<32xf32, #tpu.memory_space<vmem>>
      %dma_start3A_152 = tpu.memref_slice %arg12[%add3A_149] : memref<8192xf32, #tpu.memory_space<vmem_shared>> -> memref<32xf32, #tpu.memory_space<vmem_shared>>
      %dma_start3A_153 = arith.constant 320 : i32
      %dma_start3A_154 = tpu.memref_slice %arg9[%dma_start3A_153] : memref<512xf32, #tpu.memory_space<vmem>> -> memref<32xf32, #tpu.memory_space<vmem>>
      %dma_start3A_155 = tpu.memref_slice %arg12[%add3A_149] : memref<8192xf32, #tpu.memory_space<vmem_shared>> -> memref<32xf32, #tpu.memory_space<vmem_shared>>
      tpu.enqueue_dma source(%dma_start3A_155 : memref<32xf32, #tpu.memory_space<vmem_shared>>) target(%dma_start3A_154 : memref<32xf32, #tpu.memory_space<vmem>>) target_semaphore(%arg11 : memref<!tpu.dma_semaphore, #tpu.memory_space<semaphore_mem>>)
      %mul3A_156 = arith.constant 32 : i32
      %mul3A_157 = arith.muli %arg1, %mul3A_156 : i32
      %add3A_158 = arith.constant 5632 : i32
      %add3A_159 = arith.addi %add3A_158, %mul3A_157 : i32
      %dma_start3A_160 = arith.constant 352 : i32
      %dma_start3A_161 = tpu.memref_slice %arg9[%dma_start3A_160] : memref<512xf32, #tpu.memory_space<vmem>> -> memref<32xf32, #tpu.memory_space<vmem>>
      %dma_start3A_162 = tpu.memref_slice %arg12[%add3A_159] : memref<8192xf32, #tpu.memory_space<vmem_shared>> -> memref<32xf32, #tpu.memory_space<vmem_shared>>
      %dma_start3A_163 = arith.constant 352 : i32
      %dma_start3A_164 = tpu.memref_slice %arg9[%dma_start3A_163] : memref<512xf32, #tpu.memory_space<vmem>> -> memref<32xf32, #tpu.memory_space<vmem>>
      %dma_start3A_165 = tpu.memref_slice %arg12[%add3A_159] : memref<8192xf32, #tpu.memory_space<vmem_shared>> -> memref<32xf32, #tpu.memory_space<vmem_shared>>
      tpu.enqueue_dma source(%dma_start3A_165 : memref<32xf32, #tpu.memory_space<vmem_shared>>) target(%dma_start3A_164 : memref<32xf32, #tpu.memory_space<vmem>>) target_semaphore(%arg11 : memref<!tpu.dma_semaphore, #tpu.memory_space<semaphore_mem>>)
      %mul3A_166 = arith.constant 32 : i32
      %mul3A_167 = arith.muli %arg1, %mul3A_166 : i32
      %add3A_168 = arith.constant 6144 : i32
      %add3A_169 = arith.addi %add3A_168, %mul3A_167 : i32
      %dma_start3A_170 = arith.constant 384 : i32
      %dma_start3A_171 = tpu.memref_slice %arg9[%dma_start3A_170] : memref<512xf32, #tpu.memory_space<vmem>> -> memref<32xf32, #tpu.memory_space<vmem>>
      %dma_start3A_172 = tpu.memref_slice %arg12[%add3A_169] : memref<8192xf32, #tpu.memory_space<vmem_shared>> -> memref<32xf32, #tpu.memory_space<vmem_shared>>
      %dma_start3A_173 = arith.constant 384 : i32
      %dma_start3A_174 = tpu.memref_slice %arg9[%dma_start3A_173] : memref<512xf32, #tpu.memory_space<vmem>> -> memref<32xf32, #tpu.memory_space<vmem>>
      %dma_start3A_175 = tpu.memref_slice %arg12[%add3A_169] : memref<8192xf32, #tpu.memory_space<vmem_shared>> -> memref<32xf32, #tpu.memory_space<vmem_shared>>
      tpu.enqueue_dma source(%dma_start3A_175 : memref<32xf32, #tpu.memory_space<vmem_shared>>) target(%dma_start3A_174 : memref<32xf32, #tpu.memory_space<vmem>>) target_semaphore(%arg11 : memref<!tpu.dma_semaphore, #tpu.memory_space<semaphore_mem>>)
      %mul3A_176 = arith.constant 32 : i32
      %mul3A_177 = arith.muli %arg1, %mul3A_176 : i32
      %add3A_178 = arith.constant 6656 : i32
      %add3A_179 = arith.addi %add3A_178, %mul3A_177 : i32
      %dma_start3A_180 = arith.constant 416 : i32
      %dma_start3A_181 = tpu.memref_slice %arg9[%dma_start3A_180] : memref<512xf32, #tpu.memory_space<vmem>> -> memref<32xf32, #tpu.memory_space<vmem>>
      %dma_start3A_182 = tpu.memref_slice %arg12[%add3A_179] : memref<8192xf32, #tpu.memory_space<vmem_shared>> -> memref<32xf32, #tpu.memory_space<vmem_shared>>
      %dma_start3A_183 = arith.constant 416 : i32
      %dma_start3A_184 = tpu.memref_slice %arg9[%dma_start3A_183] : memref<512xf32, #tpu.memory_space<vmem>> -> memref<32xf32, #tpu.memory_space<vmem>>
      %dma_start3A_185 = tpu.memref_slice %arg12[%add3A_179] : memref<8192xf32, #tpu.memory_space<vmem_shared>> -> memref<32xf32, #tpu.memory_space<vmem_shared>>
      tpu.enqueue_dma source(%dma_start3A_185 : memref<32xf32, #tpu.memory_space<vmem_shared>>) target(%dma_start3A_184 : memref<32xf32, #tpu.memory_space<vmem>>) target_semaphore(%arg11 : memref<!tpu.dma_semaphore, #tpu.memory_space<semaphore_mem>>)
      %mul3A_186 = arith.constant 32 : i32
      %mul3A_187 = arith.muli %arg1, %mul3A_186 : i32
      %add3A_188 = arith.constant 7168 : i32
      %add3A_189 = arith.addi %add3A_188, %mul3A_187 : i32
      %dma_start3A_190 = arith.constant 448 : i32
      %dma_start3A_191 = tpu.memref_slice %arg9[%dma_start3A_190] : memref<512xf32, #tpu.memory_space<vmem>> -> memref<32xf32, #tpu.memory_space<vmem>>
      %dma_start3A_192 = tpu.memref_slice %arg12[%add3A_189] : memref<8192xf32, #tpu.memory_space<vmem_shared>> -> memref<32xf32, #tpu.memory_space<vmem_shared>>
      %dma_start3A_193 = arith.constant 448 : i32
      %dma_start3A_194 = tpu.memref_slice %arg9[%dma_start3A_193] : memref<512xf32, #tpu.memory_space<vmem>> -> memref<32xf32, #tpu.memory_space<vmem>>
      %dma_start3A_195 = tpu.memref_slice %arg12[%add3A_189] : memref<8192xf32, #tpu.memory_space<vmem_shared>> -> memref<32xf32, #tpu.memory_space<vmem_shared>>
      tpu.enqueue_dma source(%dma_start3A_195 : memref<32xf32, #tpu.memory_space<vmem_shared>>) target(%dma_start3A_194 : memref<32xf32, #tpu.memory_space<vmem>>) target_semaphore(%arg11 : memref<!tpu.dma_semaphore, #tpu.memory_space<semaphore_mem>>)
      %mul3A_196 = arith.constant 32 : i32
      %mul3A_197 = arith.muli %arg1, %mul3A_196 : i32
      %add3A_198 = arith.constant 7680 : i32
      %add3A_199 = arith.addi %add3A_198, %mul3A_197 : i32
      %dma_start3A_200 = arith.constant 480 : i32
      %dma_start3A_201 = tpu.memref_slice %arg9[%dma_start3A_200] : memref<512xf32, #tpu.memory_space<vmem>> -> memref<32xf32, #tpu.memory_space<vmem>>
      %dma_start3A_202 = tpu.memref_slice %arg12[%add3A_199] : memref<8192xf32, #tpu.memory_space<vmem_shared>> -> memref<32xf32, #tpu.memory_space<vmem_shared>>
      %dma_start3A_203 = arith.constant 480 : i32
      %dma_start3A_204 = tpu.memref_slice %arg9[%dma_start3A_203] : memref<512xf32, #tpu.memory_space<vmem>> -> memref<32xf32, #tpu.memory_space<vmem>>
      %dma_start3A_205 = tpu.memref_slice %arg12[%add3A_199] : memref<8192xf32, #tpu.memory_space<vmem_shared>> -> memref<32xf32, #tpu.memory_space<vmem_shared>>
      tpu.enqueue_dma source(%dma_start3A_205 : memref<32xf32, #tpu.memory_space<vmem_shared>>) target(%dma_start3A_204 : memref<32xf32, #tpu.memory_space<vmem>>) target_semaphore(%arg11 : memref<!tpu.dma_semaphore, #tpu.memory_space<semaphore_mem>>)
      %mul3A_206 = arith.constant 32 : i32
      %mul3A_207 = arith.muli %arg1, %mul3A_206 : i32
      %add3A_208 = arith.constant 0 : i32
      %add3A_209 = arith.addi %add3A_208, %mul3A_207 : i32
      %dma_wait3A = arith.constant 0 : i32
      %dma_wait3A_210 = tpu.memref_slice %arg9[%dma_wait3A] : memref<512xf32, #tpu.memory_space<vmem>> -> memref<32xf32, #tpu.memory_space<vmem>>
      %dma_wait3A_211 = tpu.memref_slice %arg12[%add3A_209] : memref<8192xf32, #tpu.memory_space<vmem_shared>> -> memref<32xf32, #tpu.memory_space<vmem_shared>>
      %dma_wait3A_212 = arith.constant 0 : i32
      %dma_wait3A_213 = tpu.memref_slice %arg9[%dma_wait3A_212] : memref<512xf32, #tpu.memory_space<vmem>> -> memref<32xf32, #tpu.memory_space<vmem>>
      %dma_wait3A_214 = tpu.memref_slice %arg12[%add3A_209] : memref<8192xf32, #tpu.memory_space<vmem_shared>> -> memref<32xf32, #tpu.memory_space<vmem_shared>>
      tpu.wait_dma2 semaphore(%arg11 : memref<!tpu.dma_semaphore, #tpu.memory_space<semaphore_mem>>) src(%dma_wait3A_214 : memref<32xf32, #tpu.memory_space<vmem_shared>>) dst(%dma_wait3A_213 : memref<32xf32, #tpu.memory_space<vmem>>)
      %mul3A_215 = arith.constant 32 : i32
      %mul3A_216 = arith.muli %arg1, %mul3A_215 : i32
      %add3A_217 = arith.constant 512 : i32
      %add3A_218 = arith.addi %add3A_217, %mul3A_216 : i32
      %dma_wait3A_219 = arith.constant 32 : i32
      %dma_wait3A_220 = tpu.memref_slice %arg9[%dma_wait3A_219] : memref<512xf32, #tpu.memory_space<vmem>> -> memref<32xf32, #tpu.memory_space<vmem>>
      %dma_wait3A_221 = tpu.memref_slice %arg12[%add3A_218] : memref<8192xf32, #tpu.memory_space<vmem_shared>> -> memref<32xf32, #tpu.memory_space<vmem_shared>>
      %dma_wait3A_222 = arith.constant 32 : i32
      %dma_wait3A_223 = tpu.memref_slice %arg9[%dma_wait3A_222] : memref<512xf32, #tpu.memory_space<vmem>> -> memref<32xf32, #tpu.memory_space<vmem>>
      %dma_wait3A_224 = tpu.memref_slice %arg12[%add3A_218] : memref<8192xf32, #tpu.memory_space<vmem_shared>> -> memref<32xf32, #tpu.memory_space<vmem_shared>>
      tpu.wait_dma2 semaphore(%arg11 : memref<!tpu.dma_semaphore, #tpu.memory_space<semaphore_mem>>) src(%dma_wait3A_224 : memref<32xf32, #tpu.memory_space<vmem_shared>>) dst(%dma_wait3A_223 : memref<32xf32, #tpu.memory_space<vmem>>)
      %mul3A_225 = arith.constant 32 : i32
      %mul3A_226 = arith.muli %arg1, %mul3A_225 : i32
      %add3A_227 = arith.constant 1024 : i32
      %add3A_228 = arith.addi %add3A_227, %mul3A_226 : i32
      %dma_wait3A_229 = arith.constant 64 : i32
      %dma_wait3A_230 = tpu.memref_slice %arg9[%dma_wait3A_229] : memref<512xf32, #tpu.memory_space<vmem>> -> memref<32xf32, #tpu.memory_space<vmem>>
      %dma_wait3A_231 = tpu.memref_slice %arg12[%add3A_228] : memref<8192xf32, #tpu.memory_space<vmem_shared>> -> memref<32xf32, #tpu.memory_space<vmem_shared>>
      %dma_wait3A_232 = arith.constant 64 : i32
      %dma_wait3A_233 = tpu.memref_slice %arg9[%dma_wait3A_232] : memref<512xf32, #tpu.memory_space<vmem>> -> memref<32xf32, #tpu.memory_space<vmem>>
      %dma_wait3A_234 = tpu.memref_slice %arg12[%add3A_228] : memref<8192xf32, #tpu.memory_space<vmem_shared>> -> memref<32xf32, #tpu.memory_space<vmem_shared>>
      tpu.wait_dma2 semaphore(%arg11 : memref<!tpu.dma_semaphore, #tpu.memory_space<semaphore_mem>>) src(%dma_wait3A_234 : memref<32xf32, #tpu.memory_space<vmem_shared>>) dst(%dma_wait3A_233 : memref<32xf32, #tpu.memory_space<vmem>>)
      %mul3A_235 = arith.constant 32 : i32
      %mul3A_236 = arith.muli %arg1, %mul3A_235 : i32
      %add3A_237 = arith.constant 1536 : i32
      %add3A_238 = arith.addi %add3A_237, %mul3A_236 : i32
      %dma_wait3A_239 = arith.constant 96 : i32
      %dma_wait3A_240 = tpu.memref_slice %arg9[%dma_wait3A_239] : memref<512xf32, #tpu.memory_space<vmem>> -> memref<32xf32, #tpu.memory_space<vmem>>
      %dma_wait3A_241 = tpu.memref_slice %arg12[%add3A_238] : memref<8192xf32, #tpu.memory_space<vmem_shared>> -> memref<32xf32, #tpu.memory_space<vmem_shared>>
      %dma_wait3A_242 = arith.constant 96 : i32
      %dma_wait3A_243 = tpu.memref_slice %arg9[%dma_wait3A_242] : memref<512xf32, #tpu.memory_space<vmem>> -> memref<32xf32, #tpu.memory_space<vmem>>
      %dma_wait3A_244 = tpu.memref_slice %arg12[%add3A_238] : memref<8192xf32, #tpu.memory_space<vmem_shared>> -> memref<32xf32, #tpu.memory_space<vmem_shared>>
      tpu.wait_dma2 semaphore(%arg11 : memref<!tpu.dma_semaphore, #tpu.memory_space<semaphore_mem>>) src(%dma_wait3A_244 : memref<32xf32, #tpu.memory_space<vmem_shared>>) dst(%dma_wait3A_243 : memref<32xf32, #tpu.memory_space<vmem>>)
      %mul3A_245 = arith.constant 32 : i32
      %mul3A_246 = arith.muli %arg1, %mul3A_245 : i32
      %add3A_247 = arith.constant 2048 : i32
      %add3A_248 = arith.addi %add3A_247, %mul3A_246 : i32
      %dma_wait3A_249 = arith.constant 128 : i32
      %dma_wait3A_250 = tpu.memref_slice %arg9[%dma_wait3A_249] : memref<512xf32, #tpu.memory_space<vmem>> -> memref<32xf32, #tpu.memory_space<vmem>>
      %dma_wait3A_251 = tpu.memref_slice %arg12[%add3A_248] : memref<8192xf32, #tpu.memory_space<vmem_shared>> -> memref<32xf32, #tpu.memory_space<vmem_shared>>
      %dma_wait3A_252 = arith.constant 128 : i32
      %dma_wait3A_253 = tpu.memref_slice %arg9[%dma_wait3A_252] : memref<512xf32, #tpu.memory_space<vmem>> -> memref<32xf32, #tpu.memory_space<vmem>>
      %dma_wait3A_254 = tpu.memref_slice %arg12[%add3A_248] : memref<8192xf32, #tpu.memory_space<vmem_shared>> -> memref<32xf32, #tpu.memory_space<vmem_shared>>
      tpu.wait_dma2 semaphore(%arg11 : memref<!tpu.dma_semaphore, #tpu.memory_space<semaphore_mem>>) src(%dma_wait3A_254 : memref<32xf32, #tpu.memory_space<vmem_shared>>) dst(%dma_wait3A_253 : memref<32xf32, #tpu.memory_space<vmem>>)
      %mul3A_255 = arith.constant 32 : i32
      %mul3A_256 = arith.muli %arg1, %mul3A_255 : i32
      %add3A_257 = arith.constant 2560 : i32
      %add3A_258 = arith.addi %add3A_257, %mul3A_256 : i32
      %dma_wait3A_259 = arith.constant 160 : i32
      %dma_wait3A_260 = tpu.memref_slice %arg9[%dma_wait3A_259] : memref<512xf32, #tpu.memory_space<vmem>> -> memref<32xf32, #tpu.memory_space<vmem>>
      %dma_wait3A_261 = tpu.memref_slice %arg12[%add3A_258] : memref<8192xf32, #tpu.memory_space<vmem_shared>> -> memref<32xf32, #tpu.memory_space<vmem_shared>>
      %dma_wait3A_262 = arith.constant 160 : i32
      %dma_wait3A_263 = tpu.memref_slice %arg9[%dma_wait3A_262] : memref<512xf32, #tpu.memory_space<vmem>> -> memref<32xf32, #tpu.memory_space<vmem>>
      %dma_wait3A_264 = tpu.memref_slice %arg12[%add3A_258] : memref<8192xf32, #tpu.memory_space<vmem_shared>> -> memref<32xf32, #tpu.memory_space<vmem_shared>>
      tpu.wait_dma2 semaphore(%arg11 : memref<!tpu.dma_semaphore, #tpu.memory_space<semaphore_mem>>) src(%dma_wait3A_264 : memref<32xf32, #tpu.memory_space<vmem_shared>>) dst(%dma_wait3A_263 : memref<32xf32, #tpu.memory_space<vmem>>)
      %mul3A_265 = arith.constant 32 : i32
      %mul3A_266 = arith.muli %arg1, %mul3A_265 : i32
      %add3A_267 = arith.constant 3072 : i32
      %add3A_268 = arith.addi %add3A_267, %mul3A_266 : i32
      %dma_wait3A_269 = arith.constant 192 : i32
      %dma_wait3A_270 = tpu.memref_slice %arg9[%dma_wait3A_269] : memref<512xf32, #tpu.memory_space<vmem>> -> memref<32xf32, #tpu.memory_space<vmem>>
      %dma_wait3A_271 = tpu.memref_slice %arg12[%add3A_268] : memref<8192xf32, #tpu.memory_space<vmem_shared>> -> memref<32xf32, #tpu.memory_space<vmem_shared>>
      %dma_wait3A_272 = arith.constant 192 : i32
      %dma_wait3A_273 = tpu.memref_slice %arg9[%dma_wait3A_272] : memref<512xf32, #tpu.memory_space<vmem>> -> memref<32xf32, #tpu.memory_space<vmem>>
      %dma_wait3A_274 = tpu.memref_slice %arg12[%add3A_268] : memref<8192xf32, #tpu.memory_space<vmem_shared>> -> memref<32xf32, #tpu.memory_space<vmem_shared>>
      tpu.wait_dma2 semaphore(%arg11 : memref<!tpu.dma_semaphore, #tpu.memory_space<semaphore_mem>>) src(%dma_wait3A_274 : memref<32xf32, #tpu.memory_space<vmem_shared>>) dst(%dma_wait3A_273 : memref<32xf32, #tpu.memory_space<vmem>>)
      %mul3A_275 = arith.constant 32 : i32
      %mul3A_276 = arith.muli %arg1, %mul3A_275 : i32
      %add3A_277 = arith.constant 3584 : i32
      %add3A_278 = arith.addi %add3A_277, %mul3A_276 : i32
      %dma_wait3A_279 = arith.constant 224 : i32
      %dma_wait3A_280 = tpu.memref_slice %arg9[%dma_wait3A_279] : memref<512xf32, #tpu.memory_space<vmem>> -> memref<32xf32, #tpu.memory_space<vmem>>
      %dma_wait3A_281 = tpu.memref_slice %arg12[%add3A_278] : memref<8192xf32, #tpu.memory_space<vmem_shared>> -> memref<32xf32, #tpu.memory_space<vmem_shared>>
      %dma_wait3A_282 = arith.constant 224 : i32
      %dma_wait3A_283 = tpu.memref_slice %arg9[%dma_wait3A_282] : memref<512xf32, #tpu.memory_space<vmem>> -> memref<32xf32, #tpu.memory_space<vmem>>
      %dma_wait3A_284 = tpu.memref_slice %arg12[%add3A_278] : memref<8192xf32, #tpu.memory_space<vmem_shared>> -> memref<32xf32, #tpu.memory_space<vmem_shared>>
      tpu.wait_dma2 semaphore(%arg11 : memref<!tpu.dma_semaphore, #tpu.memory_space<semaphore_mem>>) src(%dma_wait3A_284 : memref<32xf32, #tpu.memory_space<vmem_shared>>) dst(%dma_wait3A_283 : memref<32xf32, #tpu.memory_space<vmem>>)
      %mul3A_285 = arith.constant 32 : i32
      %mul3A_286 = arith.muli %arg1, %mul3A_285 : i32
      %add3A_287 = arith.constant 4096 : i32
      %add3A_288 = arith.addi %add3A_287, %mul3A_286 : i32
      %dma_wait3A_289 = arith.constant 256 : i32
      %dma_wait3A_290 = tpu.memref_slice %arg9[%dma_wait3A_289] : memref<512xf32, #tpu.memory_space<vmem>> -> memref<32xf32, #tpu.memory_space<vmem>>
      %dma_wait3A_291 = tpu.memref_slice %arg12[%add3A_288] : memref<8192xf32, #tpu.memory_space<vmem_shared>> -> memref<32xf32, #tpu.memory_space<vmem_shared>>
      %dma_wait3A_292 = arith.constant 256 : i32
      %dma_wait3A_293 = tpu.memref_slice %arg9[%dma_wait3A_292] : memref<512xf32, #tpu.memory_space<vmem>> -> memref<32xf32, #tpu.memory_space<vmem>>
      %dma_wait3A_294 = tpu.memref_slice %arg12[%add3A_288] : memref<8192xf32, #tpu.memory_space<vmem_shared>> -> memref<32xf32, #tpu.memory_space<vmem_shared>>
      tpu.wait_dma2 semaphore(%arg11 : memref<!tpu.dma_semaphore, #tpu.memory_space<semaphore_mem>>) src(%dma_wait3A_294 : memref<32xf32, #tpu.memory_space<vmem_shared>>) dst(%dma_wait3A_293 : memref<32xf32, #tpu.memory_space<vmem>>)
      %mul3A_295 = arith.constant 32 : i32
      %mul3A_296 = arith.muli %arg1, %mul3A_295 : i32
      %add3A_297 = arith.constant 4608 : i32
      %add3A_298 = arith.addi %add3A_297, %mul3A_296 : i32
      %dma_wait3A_299 = arith.constant 288 : i32
      %dma_wait3A_300 = tpu.memref_slice %arg9[%dma_wait3A_299] : memref<512xf32, #tpu.memory_space<vmem>> -> memref<32xf32, #tpu.memory_space<vmem>>
      %dma_wait3A_301 = tpu.memref_slice %arg12[%add3A_298] : memref<8192xf32, #tpu.memory_space<vmem_shared>> -> memref<32xf32, #tpu.memory_space<vmem_shared>>
      %dma_wait3A_302 = arith.constant 288 : i32
      %dma_wait3A_303 = tpu.memref_slice %arg9[%dma_wait3A_302] : memref<512xf32, #tpu.memory_space<vmem>> -> memref<32xf32, #tpu.memory_space<vmem>>
      %dma_wait3A_304 = tpu.memref_slice %arg12[%add3A_298] : memref<8192xf32, #tpu.memory_space<vmem_shared>> -> memref<32xf32, #tpu.memory_space<vmem_shared>>
      tpu.wait_dma2 semaphore(%arg11 : memref<!tpu.dma_semaphore, #tpu.memory_space<semaphore_mem>>) src(%dma_wait3A_304 : memref<32xf32, #tpu.memory_space<vmem_shared>>) dst(%dma_wait3A_303 : memref<32xf32, #tpu.memory_space<vmem>>)
      %mul3A_305 = arith.constant 32 : i32
      %mul3A_306 = arith.muli %arg1, %mul3A_305 : i32
      %add3A_307 = arith.constant 5120 : i32
      %add3A_308 = arith.addi %add3A_307, %mul3A_306 : i32
      %dma_wait3A_309 = arith.constant 320 : i32
      %dma_wait3A_310 = tpu.memref_slice %arg9[%dma_wait3A_309] : memref<512xf32, #tpu.memory_space<vmem>> -> memref<32xf32, #tpu.memory_space<vmem>>
      %dma_wait3A_311 = tpu.memref_slice %arg12[%add3A_308] : memref<8192xf32, #tpu.memory_space<vmem_shared>> -> memref<32xf32, #tpu.memory_space<vmem_shared>>
      %dma_wait3A_312 = arith.constant 320 : i32
      %dma_wait3A_313 = tpu.memref_slice %arg9[%dma_wait3A_312] : memref<512xf32, #tpu.memory_space<vmem>> -> memref<32xf32, #tpu.memory_space<vmem>>
      %dma_wait3A_314 = tpu.memref_slice %arg12[%add3A_308] : memref<8192xf32, #tpu.memory_space<vmem_shared>> -> memref<32xf32, #tpu.memory_space<vmem_shared>>
      tpu.wait_dma2 semaphore(%arg11 : memref<!tpu.dma_semaphore, #tpu.memory_space<semaphore_mem>>) src(%dma_wait3A_314 : memref<32xf32, #tpu.memory_space<vmem_shared>>) dst(%dma_wait3A_313 : memref<32xf32, #tpu.memory_space<vmem>>)
      %mul3A_315 = arith.constant 32 : i32
      %mul3A_316 = arith.muli %arg1, %mul3A_315 : i32
      %add3A_317 = arith.constant 5632 : i32
      %add3A_318 = arith.addi %add3A_317, %mul3A_316 : i32
      %dma_wait3A_319 = arith.constant 352 : i32
      %dma_wait3A_320 = tpu.memref_slice %arg9[%dma_wait3A_319] : memref<512xf32, #tpu.memory_space<vmem>> -> memref<32xf32, #tpu.memory_space<vmem>>
      %dma_wait3A_321 = tpu.memref_slice %arg12[%add3A_318] : memref<8192xf32, #tpu.memory_space<vmem_shared>> -> memref<32xf32, #tpu.memory_space<vmem_shared>>
      %dma_wait3A_322 = arith.constant 352 : i32
      %dma_wait3A_323 = tpu.memref_slice %arg9[%dma_wait3A_322] : memref<512xf32, #tpu.memory_space<vmem>> -> memref<32xf32, #tpu.memory_space<vmem>>
      %dma_wait3A_324 = tpu.memref_slice %arg12[%add3A_318] : memref<8192xf32, #tpu.memory_space<vmem_shared>> -> memref<32xf32, #tpu.memory_space<vmem_shared>>
      tpu.wait_dma2 semaphore(%arg11 : memref<!tpu.dma_semaphore, #tpu.memory_space<semaphore_mem>>) src(%dma_wait3A_324 : memref<32xf32, #tpu.memory_space<vmem_shared>>) dst(%dma_wait3A_323 : memref<32xf32, #tpu.memory_space<vmem>>)
      %mul3A_325 = arith.constant 32 : i32
      %mul3A_326 = arith.muli %arg1, %mul3A_325 : i32
      %add3A_327 = arith.constant 6144 : i32
      %add3A_328 = arith.addi %add3A_327, %mul3A_326 : i32
      %dma_wait3A_329 = arith.constant 384 : i32
      %dma_wait3A_330 = tpu.memref_slice %arg9[%dma_wait3A_329] : memref<512xf32, #tpu.memory_space<vmem>> -> memref<32xf32, #tpu.memory_space<vmem>>
      %dma_wait3A_331 = tpu.memref_slice %arg12[%add3A_328] : memref<8192xf32, #tpu.memory_space<vmem_shared>> -> memref<32xf32, #tpu.memory_space<vmem_shared>>
      %dma_wait3A_332 = arith.constant 384 : i32
      %dma_wait3A_333 = tpu.memref_slice %arg9[%dma_wait3A_332] : memref<512xf32, #tpu.memory_space<vmem>> -> memref<32xf32, #tpu.memory_space<vmem>>
      %dma_wait3A_334 = tpu.memref_slice %arg12[%add3A_328] : memref<8192xf32, #tpu.memory_space<vmem_shared>> -> memref<32xf32, #tpu.memory_space<vmem_shared>>
      tpu.wait_dma2 semaphore(%arg11 : memref<!tpu.dma_semaphore, #tpu.memory_space<semaphore_mem>>) src(%dma_wait3A_334 : memref<32xf32, #tpu.memory_space<vmem_shared>>) dst(%dma_wait3A_333 : memref<32xf32, #tpu.memory_space<vmem>>)
      %mul3A_335 = arith.constant 32 : i32
      %mul3A_336 = arith.muli %arg1, %mul3A_335 : i32
      %add3A_337 = arith.constant 6656 : i32
      %add3A_338 = arith.addi %add3A_337, %mul3A_336 : i32
      %dma_wait3A_339 = arith.constant 416 : i32
      %dma_wait3A_340 = tpu.memref_slice %arg9[%dma_wait3A_339] : memref<512xf32, #tpu.memory_space<vmem>> -> memref<32xf32, #tpu.memory_space<vmem>>
      %dma_wait3A_341 = tpu.memref_slice %arg12[%add3A_338] : memref<8192xf32, #tpu.memory_space<vmem_shared>> -> memref<32xf32, #tpu.memory_space<vmem_shared>>
      %dma_wait3A_342 = arith.constant 416 : i32
      %dma_wait3A_343 = tpu.memref_slice %arg9[%dma_wait3A_342] : memref<512xf32, #tpu.memory_space<vmem>> -> memref<32xf32, #tpu.memory_space<vmem>>
      %dma_wait3A_344 = tpu.memref_slice %arg12[%add3A_338] : memref<8192xf32, #tpu.memory_space<vmem_shared>> -> memref<32xf32, #tpu.memory_space<vmem_shared>>
      tpu.wait_dma2 semaphore(%arg11 : memref<!tpu.dma_semaphore, #tpu.memory_space<semaphore_mem>>) src(%dma_wait3A_344 : memref<32xf32, #tpu.memory_space<vmem_shared>>) dst(%dma_wait3A_343 : memref<32xf32, #tpu.memory_space<vmem>>)
      %mul3A_345 = arith.constant 32 : i32
      %mul3A_346 = arith.muli %arg1, %mul3A_345 : i32
      %add3A_347 = arith.constant 7168 : i32
      %add3A_348 = arith.addi %add3A_347, %mul3A_346 : i32
      %dma_wait3A_349 = arith.constant 448 : i32
      %dma_wait3A_350 = tpu.memref_slice %arg9[%dma_wait3A_349] : memref<512xf32, #tpu.memory_space<vmem>> -> memref<32xf32, #tpu.memory_space<vmem>>
      %dma_wait3A_351 = tpu.memref_slice %arg12[%add3A_348] : memref<8192xf32, #tpu.memory_space<vmem_shared>> -> memref<32xf32, #tpu.memory_space<vmem_shared>>
      %dma_wait3A_352 = arith.constant 448 : i32
      %dma_wait3A_353 = tpu.memref_slice %arg9[%dma_wait3A_352] : memref<512xf32, #tpu.memory_space<vmem>> -> memref<32xf32, #tpu.memory_space<vmem>>
      %dma_wait3A_354 = tpu.memref_slice %arg12[%add3A_348] : memref<8192xf32, #tpu.memory_space<vmem_shared>> -> memref<32xf32, #tpu.memory_space<vmem_shared>>
      tpu.wait_dma2 semaphore(%arg11 : memref<!tpu.dma_semaphore, #tpu.memory_space<semaphore_mem>>) src(%dma_wait3A_354 : memref<32xf32, #tpu.memory_space<vmem_shared>>) dst(%dma_wait3A_353 : memref<32xf32, #tpu.memory_space<vmem>>)
      %mul3A_355 = arith.constant 32 : i32
      %mul3A_356 = arith.muli %arg1, %mul3A_355 : i32
      %add3A_357 = arith.constant 7680 : i32
      %add3A_358 = arith.addi %add3A_357, %mul3A_356 : i32
      %dma_wait3A_359 = arith.constant 480 : i32
      %dma_wait3A_360 = tpu.memref_slice %arg9[%dma_wait3A_359] : memref<512xf32, #tpu.memory_space<vmem>> -> memref<32xf32, #tpu.memory_space<vmem>>
      %dma_wait3A_361 = tpu.memref_slice %arg12[%add3A_358] : memref<8192xf32, #tpu.memory_space<vmem_shared>> -> memref<32xf32, #tpu.memory_space<vmem_shared>>
      %dma_wait3A_362 = arith.constant 480 : i32
      %dma_wait3A_363 = tpu.memref_slice %arg9[%dma_wait3A_362] : memref<512xf32, #tpu.memory_space<vmem>> -> memref<32xf32, #tpu.memory_space<vmem>>
      %dma_wait3A_364 = tpu.memref_slice %arg12[%add3A_358] : memref<8192xf32, #tpu.memory_space<vmem_shared>> -> memref<32xf32, #tpu.memory_space<vmem_shared>>
      tpu.wait_dma2 semaphore(%arg11 : memref<!tpu.dma_semaphore, #tpu.memory_space<semaphore_mem>>) src(%dma_wait3A_364 : memref<32xf32, #tpu.memory_space<vmem_shared>>) dst(%dma_wait3A_363 : memref<32xf32, #tpu.memory_space<vmem>>)
      %broadcast_in_dim3A = arith.constant 0.000000e+00 : f32
      %broadcast_in_dim3A_365 = vector.broadcast %broadcast_in_dim3A : f32 to vector<16xf32>
      %broadcast_in_dim3A_366 = arith.constant 0.000000e+00 : f32
      %broadcast_in_dim3A_367 = vector.broadcast %broadcast_in_dim3A_366 : f32 to vector<16xf32>
      %get3A = arith.constant 0 : index
      %get3A_368 = tpu.vector_load %arg9[%get3A] {strides = array<i32>} : memref<512xf32, #tpu.memory_space<vmem>>, vector<16xf32>,
      %add3A_369 = arith.addf %broadcast_in_dim3A_365, %get3A_368 : vector<16xf32>
      %get3A_370 = arith.constant 16 : index
      %get3A_371 = tpu.vector_load %arg9[%get3A_370] {strides = array<i32>} : memref<512xf32, #tpu.memory_space<vmem>>, vector<16xf32>,
      %add3A_372 = arith.addf %broadcast_in_dim3A_367, %get3A_371 : vector<16xf32>
      %get3A_373 = arith.constant 32 : index
      %get3A_374 = tpu.vector_load %arg9[%get3A_373] {strides = array<i32>} : memref<512xf32, #tpu.memory_space<vmem>>, vector<16xf32>,
      %add3A_375 = arith.addf %add3A_369, %get3A_374 : vector<16xf32>
      %get3A_376 = arith.constant 48 : index
      %get3A_377 = tpu.vector_load %arg9[%get3A_376] {strides = array<i32>} : memref<512xf32, #tpu.memory_space<vmem>>, vector<16xf32>,
      %add3A_378 = arith.addf %add3A_372, %get3A_377 : vector<16xf32>
      %get3A_379 = arith.constant 64 : index
      %get3A_380 = tpu.vector_load %arg9[%get3A_379] {strides = array<i32>} : memref<512xf32, #tpu.memory_space<vmem>>, vector<16xf32>,
      %add3A_381 = arith.addf %add3A_375, %get3A_380 : vector<16xf32>
      %get3A_382 = arith.constant 80 : index
      %get3A_383 = tpu.vector_load %arg9[%get3A_382] {strides = array<i32>} : memref<512xf32, #tpu.memory_space<vmem>>, vector<16xf32>,
      %add3A_384 = arith.addf %add3A_378, %get3A_383 : vector<16xf32>
      %get3A_385 = arith.constant 96 : index
      %get3A_386 = tpu.vector_load %arg9[%get3A_385] {strides = array<i32>} : memref<512xf32, #tpu.memory_space<vmem>>, vector<16xf32>,
      %add3A_387 = arith.addf %add3A_381, %get3A_386 : vector<16xf32>
      %get3A_388 = arith.constant 112 : index
      %get3A_389 = tpu.vector_load %arg9[%get3A_388] {strides = array<i32>} : memref<512xf32, #tpu.memory_space<vmem>>, vector<16xf32>,
      %add3A_390 = arith.addf %add3A_384, %get3A_389 : vector<16xf32>
      %get3A_391 = arith.constant 128 : index
      %get3A_392 = tpu.vector_load %arg9[%get3A_391] {strides = array<i32>} : memref<512xf32, #tpu.memory_space<vmem>>, vector<16xf32>,
      %add3A_393 = arith.addf %add3A_387, %get3A_392 : vector<16xf32>
      %get3A_394 = arith.constant 144 : index
      %get3A_395 = tpu.vector_load %arg9[%get3A_394] {strides = array<i32>} : memref<512xf32, #tpu.memory_space<vmem>>, vector<16xf32>,
      %add3A_396 = arith.addf %add3A_390, %get3A_395 : vector<16xf32>
      %get3A_397 = arith.constant 160 : index
      %get3A_398 = tpu.vector_load %arg9[%get3A_397] {strides = array<i32>} : memref<512xf32, #tpu.memory_space<vmem>>, vector<16xf32>,
      %add3A_399 = arith.addf %add3A_393, %get3A_398 : vector<16xf32>
      %get3A_400 = arith.constant 176 : index
      %get3A_401 = tpu.vector_load %arg9[%get3A_400] {strides = array<i32>} : memref<512xf32, #tpu.memory_space<vmem>>, vector<16xf32>,
      %add3A_402 = arith.addf %add3A_396, %get3A_401 : vector<16xf32>
      %get3A_403 = arith.constant 192 : index
      %get3A_404 = tpu.vector_load %arg9[%get3A_403] {strides = array<i32>} : memref<512xf32, #tpu.memory_space<vmem>>, vector<16xf32>,
      %add3A_405 = arith.addf %add3A_399, %get3A_404 : vector<16xf32>
      %get3A_406 = arith.constant 208 : index
      %get3A_407 = tpu.vector_load %arg9[%get3A_406] {strides = array<i32>} : memref<512xf32, #tpu.memory_space<vmem>>, vector<16xf32>,
      %add3A_408 = arith.addf %add3A_402, %get3A_407 : vector<16xf32>
      %get3A_409 = arith.constant 224 : index
      %get3A_410 = tpu.vector_load %arg9[%get3A_409] {strides = array<i32>} : memref<512xf32, #tpu.memory_space<vmem>>, vector<16xf32>,
      %add3A_411 = arith.addf %add3A_405, %get3A_410 : vector<16xf32>
      %get3A_412 = arith.constant 240 : index
      %get3A_413 = tpu.vector_load %arg9[%get3A_412] {strides = array<i32>} : memref<512xf32, #tpu.memory_space<vmem>>, vector<16xf32>,
      %add3A_414 = arith.addf %add3A_408, %get3A_413 : vector<16xf32>
      %get3A_415 = arith.constant 256 : index
      %get3A_416 = tpu.vector_load %arg9[%get3A_415] {strides = array<i32>} : memref<512xf32, #tpu.memory_space<vmem>>, vector<16xf32>,
      %add3A_417 = arith.addf %add3A_411, %get3A_416 : vector<16xf32>
      %get3A_418 = arith.constant 272 : index
      %get3A_419 = tpu.vector_load %arg9[%get3A_418] {strides = array<i32>} : memref<512xf32, #tpu.memory_space<vmem>>, vector<16xf32>,
      %add3A_420 = arith.addf %add3A_414, %get3A_419 : vector<16xf32>
      %get3A_421 = arith.constant 288 : index
      %get3A_422 = tpu.vector_load %arg9[%get3A_421] {strides = array<i32>} : memref<512xf32, #tpu.memory_space<vmem>>, vector<16xf32>,
      %add3A_423 = arith.addf %add3A_417, %get3A_422 : vector<16xf32>
      %get3A_424 = arith.constant 304 : index
      %get3A_425 = tpu.vector_load %arg9[%get3A_424] {strides = array<i32>} : memref<512xf32, #tpu.memory_space<vmem>>, vector<16xf32>,
      %add3A_426 = arith.addf %add3A_420, %get3A_425 : vector<16xf32>
      %get3A_427 = arith.constant 320 : index
      %get3A_428 = tpu.vector_load %arg9[%get3A_427] {strides = array<i32>} : memref<512xf32, #tpu.memory_space<vmem>>, vector<16xf32>,
      %add3A_429 = arith.addf %add3A_423, %get3A_428 : vector<16xf32>
      %get3A_430 = arith.constant 336 : index
      %get3A_431 = tpu.vector_load %arg9[%get3A_430] {strides = array<i32>} : memref<512xf32, #tpu.memory_space<vmem>>, vector<16xf32>,
      %add3A_432 = arith.addf %add3A_426, %get3A_431 : vector<16xf32>
      %get3A_433 = arith.constant 352 : index
      %get3A_434 = tpu.vector_load %arg9[%get3A_433] {strides = array<i32>} : memref<512xf32, #tpu.memory_space<vmem>>, vector<16xf32>,
      %add3A_435 = arith.addf %add3A_429, %get3A_434 : vector<16xf32>
      %get3A_436 = arith.constant 368 : index
      %get3A_437 = tpu.vector_load %arg9[%get3A_436] {strides = array<i32>} : memref<512xf32, #tpu.memory_space<vmem>>, vector<16xf32>,
      %add3A_438 = arith.addf %add3A_432, %get3A_437 : vector<16xf32>
      %get3A_439 = arith.constant 384 : index
      %get3A_440 = tpu.vector_load %arg9[%get3A_439] {strides = array<i32>} : memref<512xf32, #tpu.memory_space<vmem>>, vector<16xf32>,
      %add3A_441 = arith.addf %add3A_435, %get3A_440 : vector<16xf32>
      %get3A_442 = arith.constant 400 : index
      %get3A_443 = tpu.vector_load %arg9[%get3A_442] {strides = array<i32>} : memref<512xf32, #tpu.memory_space<vmem>>, vector<16xf32>,
      %add3A_444 = arith.addf %add3A_438, %get3A_443 : vector<16xf32>
      %get3A_445 = arith.constant 416 : index
      %get3A_446 = tpu.vector_load %arg9[%get3A_445] {strides = array<i32>} : memref<512xf32, #tpu.memory_space<vmem>>, vector<16xf32>,
      %add3A_447 = arith.addf %add3A_441, %get3A_446 : vector<16xf32>
      %get3A_448 = arith.constant 432 : index
      %get3A_449 = tpu.vector_load %arg9[%get3A_448] {strides = array<i32>} : memref<512xf32, #tpu.memory_space<vmem>>, vector<16xf32>,
      %add3A_450 = arith.addf %add3A_444, %get3A_449 : vector<16xf32>
      %get3A_451 = arith.constant 448 : index
      %get3A_452 = tpu.vector_load %arg9[%get3A_451] {strides = array<i32>} : memref<512xf32, #tpu.memory_space<vmem>>, vector<16xf32>,
      %add3A_453 = arith.addf %add3A_447, %get3A_452 : vector<16xf32>
      %get3A_454 = arith.constant 464 : index
      %get3A_455 = tpu.vector_load %arg9[%get3A_454] {strides = array<i32>} : memref<512xf32, #tpu.memory_space<vmem>>, vector<16xf32>,
      %add3A_456 = arith.addf %add3A_450, %get3A_455 : vector<16xf32>
      %get3A_457 = arith.constant 480 : index
      %get3A_458 = tpu.vector_load %arg9[%get3A_457] {strides = array<i32>} : memref<512xf32, #tpu.memory_space<vmem>>, vector<16xf32>,
      %add3A_459 = arith.addf %add3A_453, %get3A_458 : vector<16xf32>
      %get3A_460 = arith.constant 496 : index
      %get3A_461 = tpu.vector_load %arg9[%get3A_460] {strides = array<i32>} : memref<512xf32, #tpu.memory_space<vmem>>, vector<16xf32>,
      %add3A_462 = arith.addf %add3A_456, %get3A_461 : vector<16xf32>
      %swap3A = arith.constant 0 : index
      %swap3A_463 = tpu.vector_load %arg8[%swap3A] {strides = array<i32>} : memref<512xf32, #tpu.memory_space<vmem>>, vector<16xf32>,
      tpu.vector_store %arg8[%swap3A], %add3A_459 {strides = array<i32>} : memref<512xf32, #tpu.memory_space<vmem>>, vector<16xf32>,
      %swap3A_464 = arith.constant 16 : index
      %swap3A_465 = tpu.vector_load %arg8[%swap3A_464] {strides = array<i32>} : memref<512xf32, #tpu.memory_space<vmem>>, vector<16xf32>,
      tpu.vector_store %arg8[%swap3A_464], %add3A_462 {strides = array<i32>} : memref<512xf32, #tpu.memory_space<vmem>>, vector<16xf32>,
      %mul3A_466 = arith.constant 32 : i32
      %mul3A_467 = arith.muli %arg1, %mul3A_466 : i32
      "tpu.region"() ({
        %run_scoped3A = tpu.sem_alloc : memref<!tpu.dma_semaphore, #tpu.memory_space<semaphore_mem>>
        %dma_start3A_468 = arith.constant 0 : i32
        %dma_start3A_469 = tpu.memref_slice %arg8[%dma_start3A_468] : memref<512xf32, #tpu.memory_space<vmem>> -> memref<32xf32, #tpu.memory_space<vmem>>
        %dma_start3A_470 = tpu.memref_slice %arg4[%mul3A_467] : memref<512xf32, #tpu.memory_space<hbm>> -> memref<32xf32, #tpu.memory_space<hbm>>
        %dma_start3A_471 = tpu.memref_slice %arg4[%mul3A_467] : memref<512xf32, #tpu.memory_space<hbm>> -> memref<32xf32, #tpu.memory_space<hbm>>
        %dma_start3A_472 = arith.constant 0 : i32
        %dma_start3A_473 = tpu.memref_slice %arg8[%dma_start3A_472] : memref<512xf32, #tpu.memory_space<vmem>> -> memref<32xf32, #tpu.memory_space<vmem>>
        tpu.enqueue_dma source(%dma_start3A_473 : memref<32xf32, #tpu.memory_space<vmem>>) target(%dma_start3A_471 : memref<32xf32, #tpu.memory_space<hbm>>) target_semaphore(%run_scoped3A : memref<!tpu.dma_semaphore, #tpu.memory_space<semaphore_mem>>)
        %dma_wait3A_474 = arith.constant 0 : i32
        %dma_wait3A_475 = tpu.memref_slice %arg8[%dma_wait3A_474] : memref<512xf32, #tpu.memory_space<vmem>> -> memref<32xf32, #tpu.memory_space<vmem>>
        %dma_wait3A_476 = tpu.memref_slice %arg4[%mul3A_467] : memref<512xf32, #tpu.memory_space<hbm>> -> memref<32xf32, #tpu.memory_space<hbm>>
        %dma_wait3A_477 = tpu.memref_slice %arg4[%mul3A_467] : memref<512xf32, #tpu.memory_space<hbm>> -> memref<32xf32, #tpu.memory_space<hbm>>
        %dma_wait3A_478 = arith.constant 0 : i32
        %dma_wait3A_479 = tpu.memref_slice %arg8[%dma_wait3A_478] : memref<512xf32, #tpu.memory_space<vmem>> -> memref<32xf32, #tpu.memory_space<vmem>>
        tpu.wait_dma2 semaphore(%run_scoped3A : memref<!tpu.dma_semaphore, #tpu.memory_space<semaphore_mem>>) src(%dma_wait3A_479 : memref<32xf32, #tpu.memory_space<vmem>>) dst(%dma_wait3A_477 : memref<32xf32, #tpu.memory_space<hbm>>)
        tpu.yield
      }) : () -> ()
    } else {
    }
    %eq3A_2 = arith.constant 1 : i32
    %eq3A_3 = arith.cmpi eq, %arg0, %eq3A_2 : i32
    %convert_element_type3A_4 = arith.extui %eq3A_3 : i1 to i32
    %cond3A_5 = arith.constant 0 : i32
    %cond3A_6 = arith.cmpi ne, %convert_element_type3A_4, %cond3A_5 : i32
    scf.if %cond3A_6 {
      %scan3A = arith.constant 0 : i32
      %scan3A_7 = arith.constant 0 : i32
      %scan3A_8 = arith.constant 128 : i32
      %scan3A_9 = arith.addi %scan3A_7, %scan3A_8 : i32
      %scan3A_10 = arith.constant 1 : i32
      %scan3A_11 = scf.for %scan3A_74 = %scan3A_7 to %scan3A_9 step %scan3A_10 iter_args(%scan3A_75 = %scan3A) -> (i32)  : i32 {
        %broadcast_in_dim3A = arith.constant 5.000000e-02 : f32
        %broadcast_in_dim3A_76 = vector.broadcast %broadcast_in_dim3A : f32 to vector<16xf32>
        %mul3A_77 = arith.constant 16 : i32
        %mul3A_78 = arith.muli %scan3A_74, %mul3A_77 : i32
        %swap3A = arith.index_cast %mul3A_78 : i32 to index
        %swap3A_79 = tpu.vector_load %arg10[%swap3A] {strides = array<i32>} : memref<2048xf32, #tpu.memory_space<vmem>>, vector<16xf32>,
        tpu.vector_store %arg10[%swap3A], %broadcast_in_dim3A_76 {strides = array<i32>} : memref<2048xf32, #tpu.memory_space<vmem>>, vector<16xf32>,
        %scan3A_80 = arith.constant 0 : i32
        scf.yield %scan3A_80 : i32
      }
      %scan3A_12 = arith.constant 128 : i32
      %mul3A = arith.constant 18752 : i32
      %mul3A_13 = arith.muli %arg1, %mul3A : i32
      %add3A = arith.constant 0 : i32
      %add3A_14 = arith.addi %mul3A_13, %add3A : i32
      %add3A_15 = arith.constant 2048 : i32
      %add3A_16 = arith.addi %mul3A_13, %add3A_15 : i32
      %add3A_17 = arith.constant 4096 : i32
      %add3A_18 = arith.addi %mul3A_13, %add3A_17 : i32
      %add3A_19 = arith.constant 6144 : i32
      %add3A_20 = arith.addi %mul3A_13, %add3A_19 : i32
      %add3A_21 = arith.constant 8192 : i32
      %add3A_22 = arith.addi %mul3A_13, %add3A_21 : i32
      %add3A_23 = arith.constant 10240 : i32
      %add3A_24 = arith.addi %mul3A_13, %add3A_23 : i32
      %add3A_25 = arith.constant 12288 : i32
      %add3A_26 = arith.addi %mul3A_13, %add3A_25 : i32
      %add3A_27 = arith.constant 14336 : i32
      %add3A_28 = arith.addi %mul3A_13, %add3A_27 : i32
      %add3A_29 = arith.constant 16384 : i32
      %add3A_30 = arith.addi %mul3A_13, %add3A_29 : i32
      %dma_start3A = tpu.memref_slice %arg5[%add3A_14] : memref<300000xf32, #tpu.memory_space<hbm>> -> memref<2048xf32, #tpu.memory_space<hbm>>
      %dma_start3A_31 = tpu.memref_slice %arg5[%add3A_14] : memref<300000xf32, #tpu.memory_space<hbm>> -> memref<2048xf32, #tpu.memory_space<hbm>>
      tpu.enqueue_dma source(%arg10 : memref<2048xf32, #tpu.memory_space<vmem>>) target(%dma_start3A_31 : memref<2048xf32, #tpu.memory_space<hbm>>) target_semaphore(%arg11 : memref<!tpu.dma_semaphore, #tpu.memory_space<semaphore_mem>>)
      %dma_start3A_32 = tpu.memref_slice %arg5[%add3A_16] : memref<300000xf32, #tpu.memory_space<hbm>> -> memref<2048xf32, #tpu.memory_space<hbm>>
      %dma_start3A_33 = tpu.memref_slice %arg5[%add3A_16] : memref<300000xf32, #tpu.memory_space<hbm>> -> memref<2048xf32, #tpu.memory_space<hbm>>
      tpu.enqueue_dma source(%arg10 : memref<2048xf32, #tpu.memory_space<vmem>>) target(%dma_start3A_33 : memref<2048xf32, #tpu.memory_space<hbm>>) target_semaphore(%arg11 : memref<!tpu.dma_semaphore, #tpu.memory_space<semaphore_mem>>)
      %dma_start3A_34 = tpu.memref_slice %arg5[%add3A_18] : memref<300000xf32, #tpu.memory_space<hbm>> -> memref<2048xf32, #tpu.memory_space<hbm>>
      %dma_start3A_35 = tpu.memref_slice %arg5[%add3A_18] : memref<300000xf32, #tpu.memory_space<hbm>> -> memref<2048xf32, #tpu.memory_space<hbm>>
      tpu.enqueue_dma source(%arg10 : memref<2048xf32, #tpu.memory_space<vmem>>) target(%dma_start3A_35 : memref<2048xf32, #tpu.memory_space<hbm>>) target_semaphore(%arg11 : memref<!tpu.dma_semaphore, #tpu.memory_space<semaphore_mem>>)
      %dma_start3A_36 = tpu.memref_slice %arg5[%add3A_20] : memref<300000xf32, #tpu.memory_space<hbm>> -> memref<2048xf32, #tpu.memory_space<hbm>>
      %dma_start3A_37 = tpu.memref_slice %arg5[%add3A_20] : memref<300000xf32, #tpu.memory_space<hbm>> -> memref<2048xf32, #tpu.memory_space<hbm>>
      tpu.enqueue_dma source(%arg10 : memref<2048xf32, #tpu.memory_space<vmem>>) target(%dma_start3A_37 : memref<2048xf32, #tpu.memory_space<hbm>>) target_semaphore(%arg11 : memref<!tpu.dma_semaphore, #tpu.memory_space<semaphore_mem>>)
      %dma_start3A_38 = tpu.memref_slice %arg5[%add3A_22] : memref<300000xf32, #tpu.memory_space<hbm>> -> memref<2048xf32, #tpu.memory_space<hbm>>
      %dma_start3A_39 = tpu.memref_slice %arg5[%add3A_22] : memref<300000xf32, #tpu.memory_space<hbm>> -> memref<2048xf32, #tpu.memory_space<hbm>>
      tpu.enqueue_dma source(%arg10 : memref<2048xf32, #tpu.memory_space<vmem>>) target(%dma_start3A_39 : memref<2048xf32, #tpu.memory_space<hbm>>) target_semaphore(%arg11 : memref<!tpu.dma_semaphore, #tpu.memory_space<semaphore_mem>>)
      %dma_start3A_40 = tpu.memref_slice %arg5[%add3A_24] : memref<300000xf32, #tpu.memory_space<hbm>> -> memref<2048xf32, #tpu.memory_space<hbm>>
      %dma_start3A_41 = tpu.memref_slice %arg5[%add3A_24] : memref<300000xf32, #tpu.memory_space<hbm>> -> memref<2048xf32, #tpu.memory_space<hbm>>
      tpu.enqueue_dma source(%arg10 : memref<2048xf32, #tpu.memory_space<vmem>>) target(%dma_start3A_41 : memref<2048xf32, #tpu.memory_space<hbm>>) target_semaphore(%arg11 : memref<!tpu.dma_semaphore, #tpu.memory_space<semaphore_mem>>)
      %dma_start3A_42 = tpu.memref_slice %arg5[%add3A_26] : memref<300000xf32, #tpu.memory_space<hbm>> -> memref<2048xf32, #tpu.memory_space<hbm>>
      %dma_start3A_43 = tpu.memref_slice %arg5[%add3A_26] : memref<300000xf32, #tpu.memory_space<hbm>> -> memref<2048xf32, #tpu.memory_space<hbm>>
      tpu.enqueue_dma source(%arg10 : memref<2048xf32, #tpu.memory_space<vmem>>) target(%dma_start3A_43 : memref<2048xf32, #tpu.memory_space<hbm>>) target_semaphore(%arg11 : memref<!tpu.dma_semaphore, #tpu.memory_space<semaphore_mem>>)
      %dma_start3A_44 = tpu.memref_slice %arg5[%add3A_28] : memref<300000xf32, #tpu.memory_space<hbm>> -> memref<2048xf32, #tpu.memory_space<hbm>>
      %dma_start3A_45 = tpu.memref_slice %arg5[%add3A_28] : memref<300000xf32, #tpu.memory_space<hbm>> -> memref<2048xf32, #tpu.memory_space<hbm>>
      tpu.enqueue_dma source(%arg10 : memref<2048xf32, #tpu.memory_space<vmem>>) target(%dma_start3A_45 : memref<2048xf32, #tpu.memory_space<hbm>>) target_semaphore(%arg11 : memref<!tpu.dma_semaphore, #tpu.memory_space<semaphore_mem>>)
      %dma_start3A_46 = tpu.memref_slice %arg5[%add3A_30] : memref<300000xf32, #tpu.memory_space<hbm>> -> memref<2048xf32, #tpu.memory_space<hbm>>
      %dma_start3A_47 = tpu.memref_slice %arg5[%add3A_30] : memref<300000xf32, #tpu.memory_space<hbm>> -> memref<2048xf32, #tpu.memory_space<hbm>>
      tpu.enqueue_dma source(%arg10 : memref<2048xf32, #tpu.memory_space<vmem>>) target(%dma_start3A_47 : memref<2048xf32, #tpu.memory_space<hbm>>) target_semaphore(%arg11 : memref<!tpu.dma_semaphore, #tpu.memory_space<semaphore_mem>>)
      %lt3A = arith.constant 15 : i32
      %lt3A_48 = arith.cmpi slt, %arg1, %lt3A : i32
      %convert_element_type3A_49 = arith.extui %lt3A_48 : i1 to i32
      %cond3A_50 = arith.constant 0 : i32
      %cond3A_51 = arith.cmpi ne, %convert_element_type3A_49, %cond3A_50 : i32
      scf.if %cond3A_51 {
        %add3A_74 = arith.constant 18432 : i32
        %add3A_75 = arith.addi %mul3A_13, %add3A_74 : i32
        "tpu.region"() ({
          %run_scoped3A = tpu.sem_alloc : memref<!tpu.dma_semaphore, #tpu.memory_space<semaphore_mem>>
          %dma_start3A_76 = arith.constant 0 : i32
          %dma_start3A_77 = tpu.memref_slice %arg10[%dma_start3A_76] : memref<2048xf32, #tpu.memory_space<vmem>> -> memref<320xf32, #tpu.memory_space<vmem>>
          %dma_start3A_78 = tpu.memref_slice %arg5[%add3A_75] : memref<300000xf32, #tpu.memory_space<hbm>> -> memref<320xf32, #tpu.memory_space<hbm>>
          %dma_start3A_79 = tpu.memref_slice %arg5[%add3A_75] : memref<300000xf32, #tpu.memory_space<hbm>> -> memref<320xf32, #tpu.memory_space<hbm>>
          %dma_start3A_80 = arith.constant 0 : i32
          %dma_start3A_81 = tpu.memref_slice %arg10[%dma_start3A_80] : memref<2048xf32, #tpu.memory_space<vmem>> -> memref<320xf32, #tpu.memory_space<vmem>>
          tpu.enqueue_dma source(%dma_start3A_81 : memref<320xf32, #tpu.memory_space<vmem>>) target(%dma_start3A_79 : memref<320xf32, #tpu.memory_space<hbm>>) target_semaphore(%run_scoped3A : memref<!tpu.dma_semaphore, #tpu.memory_space<semaphore_mem>>)
          %dma_wait3A_82 = arith.constant 0 : i32
          %dma_wait3A_83 = tpu.memref_slice %arg10[%dma_wait3A_82] : memref<2048xf32, #tpu.memory_space<vmem>> -> memref<320xf32, #tpu.memory_space<vmem>>
          %dma_wait3A_84 = tpu.memref_slice %arg5[%add3A_75] : memref<300000xf32, #tpu.memory_space<hbm>> -> memref<320xf32, #tpu.memory_space<hbm>>
          %dma_wait3A_85 = tpu.memref_slice %arg5[%add3A_75] : memref<300000xf32, #tpu.memory_space<hbm>> -> memref<320xf32, #tpu.memory_space<hbm>>
          %dma_wait3A_86 = arith.constant 0 : i32
          %dma_wait3A_87 = tpu.memref_slice %arg10[%dma_wait3A_86] : memref<2048xf32, #tpu.memory_space<vmem>> -> memref<320xf32, #tpu.memory_space<vmem>>
          tpu.wait_dma2 semaphore(%run_scoped3A : memref<!tpu.dma_semaphore, #tpu.memory_space<semaphore_mem>>) src(%dma_wait3A_87 : memref<320xf32, #tpu.memory_space<vmem>>) dst(%dma_wait3A_85 : memref<320xf32, #tpu.memory_space<hbm>>)
          tpu.yield
        }) : () -> ()
      } else {
      }
      %eq3A_52 = arith.constant 15 : i32
      %eq3A_53 = arith.cmpi eq, %arg1, %eq3A_52 : i32
      %convert_element_type3A_54 = arith.extui %eq3A_53 : i1 to i32
      %cond3A_55 = arith.constant 0 : i32
      %cond3A_56 = arith.cmpi ne, %convert_element_type3A_54, %cond3A_55 : i32
      scf.if %cond3A_56 {
        %add3A_74 = arith.constant 18432 : i32
        %add3A_75 = arith.addi %mul3A_13, %add3A_74 : i32
        "tpu.region"() ({
          %run_scoped3A = tpu.sem_alloc : memref<!tpu.dma_semaphore, #tpu.memory_space<semaphore_mem>>
          %dma_start3A_76 = arith.constant 0 : i32
          %dma_start3A_77 = tpu.memref_slice %arg10[%dma_start3A_76] : memref<2048xf32, #tpu.memory_space<vmem>> -> memref<288xf32, #tpu.memory_space<vmem>>
          %dma_start3A_78 = tpu.memref_slice %arg5[%add3A_75] : memref<300000xf32, #tpu.memory_space<hbm>> -> memref<288xf32, #tpu.memory_space<hbm>>
          %dma_start3A_79 = tpu.memref_slice %arg5[%add3A_75] : memref<300000xf32, #tpu.memory_space<hbm>> -> memref<288xf32, #tpu.memory_space<hbm>>
          %dma_start3A_80 = arith.constant 0 : i32
          %dma_start3A_81 = tpu.memref_slice %arg10[%dma_start3A_80] : memref<2048xf32, #tpu.memory_space<vmem>> -> memref<288xf32, #tpu.memory_space<vmem>>
          tpu.enqueue_dma source(%dma_start3A_81 : memref<288xf32, #tpu.memory_space<vmem>>) target(%dma_start3A_79 : memref<288xf32, #tpu.memory_space<hbm>>) target_semaphore(%run_scoped3A : memref<!tpu.dma_semaphore, #tpu.memory_space<semaphore_mem>>)
          %dma_wait3A_82 = arith.constant 0 : i32
          %dma_wait3A_83 = tpu.memref_slice %arg10[%dma_wait3A_82] : memref<2048xf32, #tpu.memory_space<vmem>> -> memref<288xf32, #tpu.memory_space<vmem>>
          %dma_wait3A_84 = tpu.memref_slice %arg5[%add3A_75] : memref<300000xf32, #tpu.memory_space<hbm>> -> memref<288xf32, #tpu.memory_space<hbm>>
          %dma_wait3A_85 = tpu.memref_slice %arg5[%add3A_75] : memref<300000xf32, #tpu.memory_space<hbm>> -> memref<288xf32, #tpu.memory_space<hbm>>
          %dma_wait3A_86 = arith.constant 0 : i32
          %dma_wait3A_87 = tpu.memref_slice %arg10[%dma_wait3A_86] : memref<2048xf32, #tpu.memory_space<vmem>> -> memref<288xf32, #tpu.memory_space<vmem>>
          tpu.wait_dma2 semaphore(%run_scoped3A : memref<!tpu.dma_semaphore, #tpu.memory_space<semaphore_mem>>) src(%dma_wait3A_87 : memref<288xf32, #tpu.memory_space<vmem>>) dst(%dma_wait3A_85 : memref<288xf32, #tpu.memory_space<hbm>>)
          tpu.yield
        }) : () -> ()
      } else {
      }
      %dma_wait3A = tpu.memref_slice %arg5[%add3A_14] : memref<300000xf32, #tpu.memory_space<hbm>> -> memref<2048xf32, #tpu.memory_space<hbm>>
      %dma_wait3A_57 = tpu.memref_slice %arg5[%add3A_14] : memref<300000xf32, #tpu.memory_space<hbm>> -> memref<2048xf32, #tpu.memory_space<hbm>>
      tpu.wait_dma2 semaphore(%arg11 : memref<!tpu.dma_semaphore, #tpu.memory_space<semaphore_mem>>) src(%arg10 : memref<2048xf32, #tpu.memory_space<vmem>>) dst(%dma_wait3A_57 : memref<2048xf32, #tpu.memory_space<hbm>>)
      %dma_wait3A_58 = tpu.memref_slice %arg5[%add3A_16] : memref<300000xf32, #tpu.memory_space<hbm>> -> memref<2048xf32, #tpu.memory_space<hbm>>
      %dma_wait3A_59 = tpu.memref_slice %arg5[%add3A_16] : memref<300000xf32, #tpu.memory_space<hbm>> -> memref<2048xf32, #tpu.memory_space<hbm>>
      tpu.wait_dma2 semaphore(%arg11 : memref<!tpu.dma_semaphore, #tpu.memory_space<semaphore_mem>>) src(%arg10 : memref<2048xf32, #tpu.memory_space<vmem>>) dst(%dma_wait3A_59 : memref<2048xf32, #tpu.memory_space<hbm>>)
      %dma_wait3A_60 = tpu.memref_slice %arg5[%add3A_18] : memref<300000xf32, #tpu.memory_space<hbm>> -> memref<2048xf32, #tpu.memory_space<hbm>>
      %dma_wait3A_61 = tpu.memref_slice %arg5[%add3A_18] : memref<300000xf32, #tpu.memory_space<hbm>> -> memref<2048xf32, #tpu.memory_space<hbm>>
      tpu.wait_dma2 semaphore(%arg11 : memref<!tpu.dma_semaphore, #tpu.memory_space<semaphore_mem>>) src(%arg10 : memref<2048xf32, #tpu.memory_space<vmem>>) dst(%dma_wait3A_61 : memref<2048xf32, #tpu.memory_space<hbm>>)
      %dma_wait3A_62 = tpu.memref_slice %arg5[%add3A_20] : memref<300000xf32, #tpu.memory_space<hbm>> -> memref<2048xf32, #tpu.memory_space<hbm>>
      %dma_wait3A_63 = tpu.memref_slice %arg5[%add3A_20] : memref<300000xf32, #tpu.memory_space<hbm>> -> memref<2048xf32, #tpu.memory_space<hbm>>
      tpu.wait_dma2 semaphore(%arg11 : memref<!tpu.dma_semaphore, #tpu.memory_space<semaphore_mem>>) src(%arg10 : memref<2048xf32, #tpu.memory_space<vmem>>) dst(%dma_wait3A_63 : memref<2048xf32, #tpu.memory_space<hbm>>)
      %dma_wait3A_64 = tpu.memref_slice %arg5[%add3A_22] : memref<300000xf32, #tpu.memory_space<hbm>> -> memref<2048xf32, #tpu.memory_space<hbm>>
      %dma_wait3A_65 = tpu.memref_slice %arg5[%add3A_22] : memref<300000xf32, #tpu.memory_space<hbm>> -> memref<2048xf32, #tpu.memory_space<hbm>>
      tpu.wait_dma2 semaphore(%arg11 : memref<!tpu.dma_semaphore, #tpu.memory_space<semaphore_mem>>) src(%arg10 : memref<2048xf32, #tpu.memory_space<vmem>>) dst(%dma_wait3A_65 : memref<2048xf32, #tpu.memory_space<hbm>>)
      %dma_wait3A_66 = tpu.memref_slice %arg5[%add3A_24] : memref<300000xf32, #tpu.memory_space<hbm>> -> memref<2048xf32, #tpu.memory_space<hbm>>
      %dma_wait3A_67 = tpu.memref_slice %arg5[%add3A_24] : memref<300000xf32, #tpu.memory_space<hbm>> -> memref<2048xf32, #tpu.memory_space<hbm>>
      tpu.wait_dma2 semaphore(%arg11 : memref<!tpu.dma_semaphore, #tpu.memory_space<semaphore_mem>>) src(%arg10 : memref<2048xf32, #tpu.memory_space<vmem>>) dst(%dma_wait3A_67 : memref<2048xf32, #tpu.memory_space<hbm>>)
      %dma_wait3A_68 = tpu.memref_slice %arg5[%add3A_26] : memref<300000xf32, #tpu.memory_space<hbm>> -> memref<2048xf32, #tpu.memory_space<hbm>>
      %dma_wait3A_69 = tpu.memref_slice %arg5[%add3A_26] : memref<300000xf32, #tpu.memory_space<hbm>> -> memref<2048xf32, #tpu.memory_space<hbm>>
      tpu.wait_dma2 semaphore(%arg11 : memref<!tpu.dma_semaphore, #tpu.memory_space<semaphore_mem>>) src(%arg10 : memref<2048xf32, #tpu.memory_space<vmem>>) dst(%dma_wait3A_69 : memref<2048xf32, #tpu.memory_space<hbm>>)
      %dma_wait3A_70 = tpu.memref_slice %arg5[%add3A_28] : memref<300000xf32, #tpu.memory_space<hbm>> -> memref<2048xf32, #tpu.memory_space<hbm>>
      %dma_wait3A_71 = tpu.memref_slice %arg5[%add3A_28] : memref<300000xf32, #tpu.memory_space<hbm>> -> memref<2048xf32, #tpu.memory_space<hbm>>
      tpu.wait_dma2 semaphore(%arg11 : memref<!tpu.dma_semaphore, #tpu.memory_space<semaphore_mem>>) src(%arg10 : memref<2048xf32, #tpu.memory_space<vmem>>) dst(%dma_wait3A_71 : memref<2048xf32, #tpu.memory_space<hbm>>)
      %dma_wait3A_72 = tpu.memref_slice %arg5[%add3A_30] : memref<300000xf32, #tpu.memory_space<hbm>> -> memref<2048xf32, #tpu.memory_space<hbm>>
      %dma_wait3A_73 = tpu.memref_slice %arg5[%add3A_30] : memref<300000xf32, #tpu.memory_space<hbm>> -> memref<2048xf32, #tpu.memory_space<hbm>>
      tpu.wait_dma2 semaphore(%arg11 : memref<!tpu.dma_semaphore, #tpu.memory_space<semaphore_mem>>) src(%arg10 : memref<2048xf32, #tpu.memory_space<vmem>>) dst(%dma_wait3A_73 : memref<2048xf32, #tpu.memory_space<hbm>>)
    } else {
    }
    return
  }
}

</mosaic_0001>

<sc_bundles>
// kernel: kernel.3.cloned.1.call-start
scs
__scs_entry_jumppad:
0x0: {  	(pc) =	sbr.rel $0x88, $3  }
0x1: {  	(tag) =	ssettag $0x0;
	lr =	simm.s32 $0x1  }
0x2: {  	[smem:$0x3F9F] =	sst lr;
	_ =	strace $0xD0000000  }
0x3: {  	_ = 	snop  }
0x4: {  	_ = 	snop  }
0x5: {  	_ = 	snop  }
0x6: {  	_ = 	snop  }
0x7: {  	_ = 	snop  }
__scs_overlays_trampoline_lowered:
0x8: {  	[smem:$0x3FAE] =	sst s0  }
0x9: {  	[smem:$0x3FAF] =	sst s1  }
0xa: {  	[smem:$0x3FB0] =	sst s2  }
0xb: {  	[smem:$0x3FB1] =	sst s3  }
0xc: {  	[smem:$0x3FB2] =	sst s4  }
0xd: {  	[smem:$0x3FB3] =	sst s5  }
0xe: {  	[smem:$0x3FB4] =	sst s6  }
0xf: {  	[smem:$0x3FB5] =	sst s7  }
0x10: {  	[smem:$0x3FB6] =	sst s8  }
0x11: {  	[smem:$0x3FB7] =	sst s9;
	s0 =	simm.s32 @!p0 $0x0  }
0x12: {  	s1 =	sld [smem:$0x3F9D];
	s0 =	simm.s32 @p0 $0x1  }
0x13: {  	[smem:$0x3FB8] =	sst s0;
	s0 =	simm.s32 @!p1 $0x0  }
0x14: {  	s2 =	sld [smem:$0x3F9C];
	s0 =	simm.s32 @p1 $0x1  }
0x15: {  	[smem:$0x3FB9] =	sst s0;
	s0 =	simm.s32 @!p2 $0x0  }
0x16: {  	s3 =	sld [smem:$0x3FDB];
	s0 =	simm.s32 @p2 $0x1  }
0x17: {  	s4 =	simm.s32 $0x1BF5;
	[smem:$0x3FBB] =	sst s0  }
0x18: {  	s0 =	sld [smem:$0x3F9E];
	_ =	swait.ge [sflag:s4], $0x0  }
0x19: {  	s7 =	sld [smem:$0x3F9F]  }
0x1a: {  	s8 =	sadd.s32 $0xFFFFE003, lr  }
0x1b: {  	s9 =	sadd.s32 $0xFFFFFEF7, lr;
	s5 =	simm.s32 $0xFFFFFFFF;
	p2 =	slt.u32 s8, $0xFFFFF086  }
0x1c: {  	p1 =	slt.u32 s9, $0xF7A;
	s5 =	simm.s32 @!p2 $0x0  }
0x1d: {  	s5 =	simm.s32 @p1 $0x1;
	p0 =	seq.s32 s7, s2  }
0x1e: {  	s7 =	smul.u32 @!p0 $0xF7A, s2;
	p2 =	seq.s32 @!p0 s5, $0x0  }
0x1f: {  	s9 =	smul.u32 $0xF7A, s1;
	s8 =	simm.s32 @!p0 $0x1BF5;
	p2 =	por !p2, p0  }
0x20: {  	[sflag:s8] =	ssyncset.s32 @!p0 $0xFFFFF086;
	s6 =	sadd.s32 @!p0 s3, s7;
	s7 =	simm.s32 @!p0 $0x108  }
0x21: {  	s3 =	sadd.s32 s3, s9;
	s6 =	sadd.s32 @!p0 $0x88, s6;
	s7 =	simm.s32 @p2 $0x1082  }
0x22: {  	[simem:s7], [sflag:s8] =	dma.local @!p0 [hbm:s6], $0xF7A  }
0x23: {  	s9 =	sor.u32 $0xD0000000, s2;
	s6 =	simm.s32 $0x108;
	_ =	swait.ge @!p0 [sflag:s8], $0x0  }
0x24: {  	s3 =	sadd.s32 $0x88, s3;
	s6 =	simm.s32 @!p1 $0x1082;
	[sflag:s4] =	ssyncset.s32 $0xFFFFF086  }
0x25: {  	[simem:s6], [sflag:s4] =	dma.local [hbm:s3], $0xF7A  }
0x26: {  	[smem:$0x3F9F] =	sst s1;
	(tag) =	ssettag s2;
	_ =	strace s9  }
0x27: {  	s1 =	sld [smem:$0x3FAF]  }
0x28: {  	s2 =	sld [smem:$0x3FB0]  }
0x29: {  	s4 =	sld [smem:$0x3FB2]  }
0x2a: {  	p0 =	seq.s32 s5, $0x0;
	s5 =	sld [smem:$0x3FB3]  }
0x2b: {  	s6 =	sld [smem:$0x3FB4]  }
0x2c: {  	s7 =	sld [smem:$0x3FB5]  }
0x2d: {  	s3 =	simm.s32 $0x108;
	s8 =	sld [smem:$0x3FB6]  }
0x2e: {  	s3 =	simm.s32 @!p0 $0x1082;
	s9 =	sld [smem:$0x3FB7]  }
0x2f: {  	lr =	sadd.s32 s0, s3;
	s0 =	sld [smem:$0x3FAE]  }
0x30: {  	s3 =	sld [smem:$0x3FB1]  }
0x31: {  	[smem:$0x3FBA] =	sst s10  }
0x32: {  	s10 =	sld [smem:$0x3FB8];
	_ =	sdelay $0x3  }
0x33: {  	p0 =	seq.s32 s10, $0x1;
	s10 =	sld [smem:$0x3FBA];
	_ =	sdelay $0x3  }
0x34: {  	[smem:$0x3FBA] =	sst s10  }
0x35: {  	s10 =	sld [smem:$0x3FB9];
	_ =	sdelay $0x3  }
0x36: {  	p1 =	seq.s32 s10, $0x1;
	s10 =	sld [smem:$0x3FBA];
	_ =	sdelay $0x3  }
0x37: {  	[smem:$0x3FBA] =	sst s10  }
0x38: {  	s10 =	sld [smem:$0x3FBB]  }
0x39: {  	_ = 	snop;
	(pc) =	sbr.ind lr, $3  }
0x3a: {  	_ = 	snop  }
0x3b: {  	_ = 	snop  }
0x3c: {  	p2 =	seq.s32 s10, $0x1;
	s10 =	sld [smem:$0x3FBA]  }
0x3d: {  	_ =	shalt  }
0x3e: {  	_ =	shalt  }
0x3f: {  	_ =	shalt  }
0x40: {  	_ =	shalt  }
0x41: {  	_ =	shalt  }
0x42: {  	_ =	shalt  }
0x43: {  	_ =	shalt  }
0x44: {  	_ =	shalt  }
0x45: {  	_ =	shalt  }
0x46: {  	_ =	shalt  }
0x47: {  	_ =	shalt  }
0x48: {  	_ =	shalt  }
0x49: {  	_ =	shalt  }
0x4a: {  	_ =	shalt  }
0x4b: {  	_ =	shalt  }
0x4c: {  	_ =	shalt  }
0x4d: {  	_ =	shalt  }
0x4e: {  	_ =	shalt  }
0x4f: {  	_ =	shalt  }
0x50: {  	_ =	shalt  }
0x51: {  	_ =	shalt  }
0x52: {  	_ =	shalt  }
0x53: {  	_ =	shalt  }
0x54: {  	_ =	shalt  }
0x55: {  	_ =	shalt  }
0x56: {  	_ =	shalt  }
0x57: {  	_ =	shalt  }
0x58: {  	_ =	shalt  }
0x59: {  	_ =	shalt  }
0x5a: {  	_ =	shalt  }
0x5b: {  	_ =	shalt  }
0x5c: {  	_ =	shalt  }
0x5d: {  	_ =	shalt  }
0x5e: {  	_ =	shalt  }
0x5f: {  	_ =	shalt  }
0x60: {  	_ =	shalt  }
0x61: {  	_ =	shalt  }
0x62: {  	_ =	shalt  }
0x63: {  	_ =	shalt  }
0x64: {  	_ =	shalt  }
0x65: {  	_ =	shalt  }
0x66: {  	_ =	shalt  }
0x67: {  	_ =	shalt  }
0x68: {  	_ =	shalt  }
0x69: {  	_ =	shalt  }
0x6a: {  	_ =	shalt  }
0x6b: {  	_ =	shalt  }
0x6c: {  	_ =	shalt  }
0x6d: {  	_ =	shalt  }
0x6e: {  	_ =	shalt  }
0x6f: {  	_ =	shalt  }
0x70: {  	_ =	shalt  }
0x71: {  	_ =	shalt  }
0x72: {  	_ =	shalt  }
0x73: {  	_ =	shalt  }
0x74: {  	_ =	shalt  }
0x75: {  	_ =	shalt  }
0x76: {  	_ =	shalt  }
0x77: {  	_ =	shalt  }
0x78: {  	_ =	shalt  }
0x79: {  	_ =	shalt  }
0x7a: {  	_ =	shalt  }
0x7b: {  	_ =	shalt  }
0x7c: {  	_ =	shalt  }
0x7d: {  	_ =	shalt  }
0x7e: {  	_ =	shalt  }
0x7f: {  	_ =	shalt  }
0x80: {  	_ =	shalt  }
0x81: {  	_ =	shalt  }
0x82: {  	_ =	shalt  }
0x83: {  	_ =	shalt  }
0x84: {  	_ =	shalt  }
0x85: {  	_ =	shalt  }
0x86: {  	_ =	shalt  }
0x87: {  	_ =	shalt  }
.Lfunc_end0:
.L_simem_size_0:
called_computation_lowered:
.L_overlay_start_0:
0x88: {  	s2 =	sld [smem:$0x3FD9]  }
0x89: {  	s3 =	sld [smem:$0x3FFE];
	_ =	sdelay $0x1  }
0x8a: {  	s1 =	srdreg.scid  }
0x8b: {  	s0 =	sand.u32 $0x1, s1  }
0x8c: {  	s14 =	sshll.u32 s0, $0xA;
	s2 =	sadd.s32 s3, s2  }
0x8d: {  	s2 =	sadd.s32 s2, s14  }
0x8e: {  	[smem:$0x3FC6] =	sst s2  }
0x8f: {  	_ = 	snop  }
0x90: {  	s2 =	sld [smem:$0x3FD0];
	_ =	sdelay $0x2  }
0x91: {  	s4 =	simm.s32 $0xA;
	s5 =	simm.s32 $0x10;
	s15 =	sld [smem:$0x3FC8]  }
0x92: {  	[smem:s5], [sflag:s4] =	dma.local [hbm:s2], $0x1  }
0x93: {  	_ =	swait.eq [sflag:s4], $0x1  }
0x94: {  	[sflag:s4] =	ssyncset.done $0x0  }
0x95: {  	s16 =	sld [smem:$0x10];
	[sflag:s4] =	ssyncadd.s32 $0xFFFFFFFF  }
0x96: {  	s17 =	sld [smem:$0x11];
	(tm) =	ssettm $0x1  }
0x97: {  	s18 =	sld [smem:$0x3FFB];
	_ =	sdelay $0x3  }
0x98: {  	_ =	strace s18  }
0x99: {  	s5 =	sld [smem:$0x3FFC];
	_ =	sdelay $0x3  }
0x9a: {  	_ =	strace s5  }
0x9b: {  	s5 =	sld [smem:$0x3FFD];
	_ =	sdelay $0x3  }
0x9c: {  	_ =	strace s5  }
0x9d: {  	_ =	strace $0x8FFFFFFF  }
0x9e: {  	s19 =	sld [smem:$0x3FDB];
	_ =	sdelay $0x1  }
0x9f: {  	s6 =	simm.s32 $_scs_section_size  }
0xa0: {  	s7 =	simm.s32 $_size__tile_overlayer_lowered;
	s8 =	simm.s32 $_tile_overlayer_lowered  }
0xa1: {  	s22 =	simm.s32 $0x1BFF;
	s21 =	sshll.u32 s8, $0x1;
	s5 =	sadd.s32 s6, s19  }
0xa2: {  	s9 =	simm.s32 $0x0;
	s20 =	sshll.u32 s7, $0x1;
	s7 =	sadd.s32 s21, s5  }
0xa3: {  	[timem:s9], [sflag:s22] =	dma.local [hbm:s7], s20  }
0xa4: {  	_ =	swait.ge [sflag:s22], s20  }
0xa5: {  	s6 =	ssub.s32 $0x0, s20;
	[sflag:s22] =	ssyncset.done $0x0  }
0xa6: {  	[sflag:s22] =	ssyncadd.s32 s6;
	_ =	sdelay $0x1  }
0xa7: {  	s23 =	simm.s32 $0x1B8B  }
0xa8: {  	_ =	swait.ge [sflag:s23], $0x1  }
0xa9: {  	[sflag:s23] =	ssyncset.done $0x0  }
0xaa: {  	s25 =	simm.s32 $0x1B8E;
	s24 =	sld [smem:$0x3FFE];
	[sflag:s23] =	ssyncadd.s32 $0xFFFFFFFF  }
0xab: {  	s26 =	simm.s32 $execute0_lowered;
	[smem:$0x3FD2] =	sst s25  }
0xac: {  	s7 =	sshll.u32 s26, $0x1;
	_ =	strace $0x80000046;
	[dreg:$0x1] =	wrdreg $0xFFFFFFFF  }
0xad: {  	s28 =	simm.s32 $_size_execute0_lowered;
	s5 =	sadd.s32 s5, s7;
	[dreg:$0x0] =	wrdreg $0x0  }
0xae: {  	s7 =	sshll.u32 s28, $0x1;
	[dreg:$0x2] =	wrdreg s5  }
0xaf: {  	[dreg:$0x3] =	wrdreg s7  }
0xb0: {  	[dreg:$0x4] =	wrdreg $0xC0  }
0xb1: {  	_ =	task [dreg:s9], $0x5FFFF  }
0xb2: {  	[dreg:$0x1] =	wrdreg $0xFFFFFFFF  }
0xb3: {  	[dreg:$0x0] =	wrdreg $0x60  }
0xb4: {  	[dreg:$0x2] =	wrdreg s17  }
0xb5: {  	[dreg:$0x3] =	wrdreg s15  }
0xb6: {  	[dreg:$0x4] =	wrdreg s16  }
0xb7: {  	[dreg:$0x5] =	wrdreg s24  }
0xb8: {  	[dreg:$0x6] =	wrdreg $0x6E000  }
0xb9: {  	[dreg:$0x7] =	wrdreg $0x9  }
0xba: {  	_ =	task.clear_ibuf [dreg:s9], $0x8FFFF;
	_ =	strace $0x90000046  }
0xbb: {  	s29 =	simm.s32 $0x9;
	_ =	strace $0x80000048  }
0xbc: {  	_ =	swait.ge [sflag:s29], $0x1  }
0xbd: {  	[sflag:s29] =	ssyncadd.s32 $0xFFFFFFFF  }
0xbe: {  	_ =	strace $0x90000048  }
0xbf: {  	_ =	sfence  }
0xc0: {  	s30 =	sld [smem:$0x0];
	_ =	sdelay $0x2  }
0xc1: {  	s31 =	sshll.u32 s1, $0xD;
	s1 =	sshrl.u32 s1, $0x2  }
0xc2: {  	s3 =	sand.u32 $0x4000, s31;
	s1 =	sadd.s32 s1, s30  }
0xc3: {  	s0 =	sor.u32 s3, s0;
	s1 =	sshll.u32 s1, $0x11  }
0xc4: {  	s0 =	sor.u32 s1, s0  }
0xc5: {  	s0 =	sadd.s32 $0x8F2B, s0  }
0xc6: {  	[sflag:s0] =	ssyncadd.remote.s32 $0x1  }
0xc7: {  	_ =	sfence.sel $0xFFFF  }
0xc8: {  	[dreg:$0x0] =	wrdreg $0xFFFFFFFF;
	(pc) =	sbr.abs _section_cstart, $3  }
0xc9: {  	[dreg:$0x1] =	wrdreg $0xFFFFFFFF  }
0xca: {  	_ =	task.clear_ibuf [dreg:s9], $0x2FFFF;
	_ =	strace $0x9FFFFFFF  }
0xcb: {  	(tm) =	ssettm $0x7FFFFFFF  }
tec
execute0_lowered:
.L_overlay_start_1:
0x0: {  	(tag) =	ssettag $0x1  }
0x1: {  	s0 =	rddreg [dreg:$0x0]  }
0x2: {  	s1 =	rddreg [dreg:$0x1]  }
0x3: {  	s3 =	rddreg [dreg:$0x2]  }
0x4: {  	s4 =	rddreg [dreg:$0x3]  }
0x5: {  	s5 =	rddreg [dreg:$0x4]  }
0x6: {  	s11 =	stileid.u32;
	s6 =	srdreg.scid  }
0x7: {  	s2 =	simm.s32 $0x0;
	s12 =	simm.s32 $0x1810;
	s7 =	smul.u32 $0x4940, s11  }
0x8: {  	s6 =	sand.u32 $0x1, s6;
	[smem:$0x7FF] =	sst s2;
	p0 =	seq.s32 s11, $0xF  }
0x9: {  	s13 =	smul.u32 $0x30E, s11;
	s16 =	sshll.u32 s11, $0x5;
	s17 =	sshll.u32 s11, $0x9  }
0xa: {  	s20 =	sshll.u32 s11, $0x2;
	s8 =	ssub.s32 $0x2, s6;
	_ =	strace $0x80000047  }
0xb: {  	p1 =	seq.s32 s6, $0x1;
	s12 =	simm.s32 @!p0 $0x1870;
	s18 =	sadd.s32 s17, s5  }
0xc: {  	s7 =	sshrl.u32 s7, $0x3;
	s9 =	sshrl.u32 s8, $0x1;
	s15 =	sadd.s32 s1, s13  }
0xd: {  	s1 =	sadd.s32 $0x2DD2, s1;
	[dreg:$0xa] =	wrdreg s18;
	v0 =	vmov s12;
	s12 =	simm.s32 $0x0  }
0xe: {  	s10 =	sadd.s32 s7, s4;
	s8 =	ssub.s32 s8, s9;
	[dreg:$0x7] =	wrdreg s15  }
0xf: {  	s9 =	smul.u32 $0x92A, s11;
	[dreg:$0x9] =	wrdreg s1;
	s7 =	sadd.s32 s16, s5  }
0x10: {  	s11 =	simm.s32 $0x2;
	s19 =	sadd.s32 $0x200, s7;
	s21 =	sadd.s32 $0x400, s7  }
0x11: {  	s22 =	sadd.s32 $0x600, s7;
	s23 =	sadd.s32 $0x800, s10;
	s24 =	sadd.s32 $0x900, s10  }
0x12: {  	s25 =	sadd.s32 $0xA00, s10;
	s26 =	sadd.s32 $0xB00, s10;
	[dreg:$0xb] =	wrdreg s19  }
0x13: {  	s17 =	sadd.s32 $0xC00, s10;
	s18 =	sadd.s32 $0xD00, s10;
	[dreg:$0xc] =	wrdreg s21  }
0x14: {  	s28 =	sadd.s32 $0xC00, s7;
	s29 =	sadd.s32 $0xE00, s7;
	[dreg:$0xd] =	wrdreg s22  }
0x15: {  	s30 =	sadd.s32 $0x1000, s7;
	s31 =	sadd.s32 $0x1200, s7;
	[dreg:$0xf] =	wrdreg s23  }
0x16: {  	s1 =	sadd.s32 $0x1600, s7;
	s5 =	sadd.s32 $0x1C00, s7;
	[dreg:$0x10] =	wrdreg s24  }
0x17: {  	s6 =	sadd.s32 $0x1E00, s7;
	s14 =	sadd.s32 s0, s9;
	[dreg:$0x11] =	wrdreg s25  }
0x18: {  	s0 =	sadd.s32 $0x8976, s0;
	[dreg:$0x12] =	wrdreg s26;
	s19 =	sadd.s32 $0xE00, s10  }
0x19: {  	s21 =	sadd.s32 $0x1000, s10;
	s22 =	sadd.s32 $0x1100, s10;
	s23 =	sadd.s32 $0x9A58, s4  }
.Ltmp0:
0x1a: {  	s24 =	smax.u32 s8, $0x1;
	s25 =	sadd.s32 $0x800, s7;
	(pc) =	sbr.rel .LBB2_1-.Ltmp0, $4  }
0x1b: {  	s26 =	sadd.s32 $0xA00, s7;
	s4 =	sadd.s32 $0x1A00, s7;
	[dreg:$0x6] =	wrdreg s14  }
0x1c: {  	s8 =	simm.s32 $0x6600;
	s9 =	simm.s32 $0x1;
	[dreg:$0x8] =	wrdreg s0  }
0x1d: {  	s0 =	sadd.s32 s3, s20;
	s20 =	sadd.s32 $0xF00, s10;
	s3 =	sadd.s32 $0x1800, s7  }
0x1e: {  	v1 =	vimm.f32 $5.000000070e-02;
	v2 =	vimm.f32 $0.0e+00;
	v3 =	vlaneseq.u32;
	s10 =	simm.s32 $0x6200;
	[dreg:$0xe] =	wrdreg s0;
	s0 =	sadd.s32 $0x1400, s7  }
.LBB2_7:
0x1f: {  	[tilespmem:s14+$0x6600] =	vst v1;
	s13 =	rddreg [dreg:$0xf]  }
0x20: {  	[hbm4b:s13+s2] =	stream.linear.scatter [tilespmem:s8], [sflag:$0x1], $0x800, $0x38;
	[tilespmem:$0x7000] =	vst v63  }
0x21: {  	s14 =	rddreg [dreg:$0x10]  }
0x22: {  	[hbm4b:s14+s2] =	stream.linear.scatter [tilespmem:s8], [sflag:$0x1], $0x800, $0x38;
	[tilespmem:$0x7000] =	vst v63  }
0x23: {  	s15 =	rddreg [dreg:$0x11]  }
0x24: {  	[hbm4b:s15+s2] =	stream.linear.scatter [tilespmem:s8], [sflag:$0x1], $0x800, $0x38;
	[tilespmem:$0x7000] =	vst v63  }
0x25: {  	s16 =	rddreg [dreg:$0x12]  }
0x26: {  	[hbm4b:s16+s2] =	stream.linear.scatter [tilespmem:s8], [sflag:$0x1], $0x800, $0x38;
	[tilespmem:$0x7000] =	vst v63  }
0x27: {  	_ = 	snop  }
0x28: {  	[hbm4b:s17+s2] =	stream.linear.scatter [tilespmem:s8], [sflag:$0x1], $0x800, $0x38;
	[tilespmem:$0x7000] =	vst v63  }
0x29: {  	_ = 	snop  }
0x2a: {  	[hbm4b:s18+s2] =	stream.linear.scatter [tilespmem:s8], [sflag:$0x1], $0x800, $0x38;
	[tilespmem:$0x7000] =	vst v63  }
0x2b: {  	_ = 	snop  }
0x2c: {  	[hbm4b:s19+s2] =	stream.linear.scatter [tilespmem:s8], [sflag:$0x1], $0x800, $0x38;
	[tilespmem:$0x7000] =	vst v63  }
0x2d: {  	_ = 	snop  }
0x2e: {  	[hbm4b:s20+s2] =	stream.linear.scatter [tilespmem:s8], [sflag:$0x1], $0x800, $0x38;
	[tilespmem:$0x7000] =	vst v63  }
0x2f: {  	_ = 	snop  }
0x30: {  	[hbm4b:s21+s2] =	stream.linear.scatter [tilespmem:s8], [sflag:$0x1], $0x800, $0x38;
	[tilespmem:$0x7000] =	vst v63  }
0x31: {  	s13 =	simm.s32 @p0 $0x0;
	s14 =	simm.s32 @p0 $0x6600  }
0x32: {  	[hbm4b:s23+s13] =	stream.linear.scatter @p0 [tilespmem:s14], [sflag:$0x2], $0x120, $0x38;
	[tilespmem:$0x7000] =	vst v63  }
0x33: {  	s13 =	simm.s32 @p0 $0x2  }
0x34: {  	_ =	swait.ge @p0 [sflag:s13], $0x120  }
0x35: {  	[sflag:s13] =	ssyncset.done @p0 $0x0  }
0x36: {  	s14 =	simm.s32 @!p0 $0x6600;
	[sflag:s13] =	ssyncadd.s32 @p0 $0xFFFFFEE0;
	s13 =	simm.s32 @!p0 $0x0  }
0x37: {  	[hbm4b:s22+s13] =	stream.linear.scatter @!p0 [tilespmem:s14], [sflag:$0x2], $0x140, $0x38;
	[tilespmem:$0x7000] =	vst v63  }
0x38: {  	s13 =	simm.s32 @!p0 $0x2  }
0x39: {  	_ =	swait.ge @!p0 [sflag:s13], $0x140  }
0x3a: {  	[sflag:s13] =	ssyncset.done @!p0 $0x0  }
0x3b: {  	[sflag:s13] =	ssyncadd.s32 @!p0 $0xFFFFFEC0  }
0x3c: {  	_ =	swait.ge [sflag:s9], $0x800  }
0x3d: {  	[sflag:s9] =	ssyncset.done $0x0  }
0x3e: {  	[sflag:s9] =	ssyncadd.s32 $0xFFFFF800  }
0x3f: {  	_ =	swait.ge [sflag:s9], $0x800  }
0x40: {  	[sflag:s9] =	ssyncset.done $0x0  }
0x41: {  	[sflag:s9] =	ssyncadd.s32 $0xFFFFF800  }
0x42: {  	_ =	swait.ge [sflag:s9], $0x800  }
0x43: {  	[sflag:s9] =	ssyncset.done $0x0  }
0x44: {  	[sflag:s9] =	ssyncadd.s32 $0xFFFFF800  }
0x45: {  	_ =	swait.ge [sflag:s9], $0x800  }
0x46: {  	[sflag:s9] =	ssyncset.done $0x0  }
0x47: {  	[sflag:s9] =	ssyncadd.s32 $0xFFFFF800  }
0x48: {  	_ =	swait.ge [sflag:s9], $0x800  }
0x49: {  	[sflag:s9] =	ssyncset.done $0x0  }
0x4a: {  	[sflag:s9] =	ssyncadd.s32 $0xFFFFF800  }
0x4b: {  	_ =	swait.ge [sflag:s9], $0x800  }
0x4c: {  	[sflag:s9] =	ssyncset.done $0x0  }
0x4d: {  	[sflag:s9] =	ssyncadd.s32 $0xFFFFF800  }
0x4e: {  	_ =	swait.ge [sflag:s9], $0x800  }
0x4f: {  	[sflag:s9] =	ssyncset.done $0x0  }
0x50: {  	[sflag:s9] =	ssyncadd.s32 $0xFFFFF800  }
0x51: {  	_ =	swait.ge [sflag:s9], $0x800  }
0x52: {  	[sflag:s9] =	ssyncset.done $0x0  }
0x53: {  	[sflag:s9] =	ssyncadd.s32 $0xFFFFF800  }
0x54: {  	_ =	swait.ge [sflag:s9], $0x800  }
0x55: {  	[sflag:s9] =	ssyncset.done $0x0  }
0x56: {  	[sflag:s9] =	ssyncadd.s32 $0xFFFFF800  }
.LBB2_8:
0x57: {  	s12 =	sadd.s32 $0x1, s12  }
0x58: {  	p2 =	sne.s32 s12, s24  }
.Ltmp1:
0x59: {  	_ = 	snop;
	(pc) =	sbr.rel @!p2 .LBB2_9-.Ltmp1, $1  }
0x5a: {  	_ =	sdelay $0x3  }
.LBB2_1:
.Ltmp2:
0x5b: {  	(pc) =	sbr.rel @!p1 .LBB2_2-.Ltmp2, $1  }
0x5c: {  	_ =	sdelay $0x3  }
0x5d: {  	s13 =	simm.s32 $0x40;
	s14 =	simm.s32 $0x0  }
.LBB2_6:
0x5e: {  	p2 =	sne.s32 s13, $0x1FC0;
	[tilespmem:s14+$0x6600] =	vst v1;
	s14 =	smov.u32 s13;
	s13 =	sadd.s32 $0x40, s13  }
.Ltmp3:
0x5f: {  	(pc) =	sbr.rel @p2 .LBB2_6-.Ltmp3, $2  }
0x60: {  	_ =	sdelay $0x2  }
0x61: {  	s14 =	sshra.s32 s14, $0x2  }
.Ltmp4:
0x62: {  	_ = 	snop;
	(pc) =	sbr.rel .LBB2_7-.Ltmp4, $1  }
0x63: {  	_ =	sdelay $0x3  }
.LBB2_2:
0x64: {  	s13 =	simm.s32 @p0 $0x0;
	s14 =	rddreg [dreg:$0x8]  }
0x65: {  	[tilespmem:s13], [sflag:$0x1] =	stream.linear.gather @p0 [hbm4b:s14+s13], $0x4830, $0x38;
	[tilespmem:$0x7000] =	vst v63  }
0x66: {  	s15 =	rddreg [dreg:$0x9];
	s14 =	simm.s32 @p0 $0x4980  }
0x67: {  	[tilespmem:s14], [sflag:$0x1] =	stream.linear.gather @p0 [hbm4b:s15+s13], $0x1810, $0x38;
	[tilespmem:$0x7000] =	vst v63  }
0x68: {  	s13 =	simm.s32 @!p0 $0x0;
	s14 =	rddreg [dreg:$0x6]  }
0x69: {  	[tilespmem:s13], [sflag:$0x1] =	stream.linear.gather @!p0 [hbm4b:s14+s13], $0x4950, $0x38;
	[tilespmem:$0x7000] =	vst v63  }
0x6a: {  	s15 =	rddreg [dreg:$0x7];
	s14 =	simm.s32 @!p0 $0x4980  }
0x6b: {  	[tilespmem:s14], [sflag:$0x1] =	stream.linear.gather @!p0 [hbm4b:s15+s13], $0x1870, $0x38;
	[tilespmem:$0x7000] =	vst v63  }
0x6c: {  	[tilespmem:$0x6200] =	vst v2  }
0x6d: {  	[tilespmem:$0x6210] =	vst v2  }
0x6e: {  	[tilespmem:$0x6220] =	vst v2  }
0x6f: {  	[tilespmem:$0x6230] =	vst v2  }
0x70: {  	[tilespmem:$0x6240] =	vst v2  }
0x71: {  	[tilespmem:$0x6250] =	vst v2  }
0x72: {  	[tilespmem:$0x6260] =	vst v2  }
0x73: {  	[tilespmem:$0x6270] =	vst v2  }
0x74: {  	[tilespmem:$0x6280] =	vst v2  }
0x75: {  	[tilespmem:$0x6290] =	vst v2  }
0x76: {  	[tilespmem:$0x62A0] =	vst v2  }
0x77: {  	[tilespmem:$0x62B0] =	vst v2  }
0x78: {  	[tilespmem:$0x62C0] =	vst v2  }
0x79: {  	[tilespmem:$0x62D0] =	vst v2  }
0x7a: {  	[tilespmem:$0x62E0] =	vst v2  }
0x7b: {  	[tilespmem:$0x62F0] =	vst v2  }
0x7c: {  	[tilespmem:$0x6300] =	vst v2  }
0x7d: {  	[tilespmem:$0x6310] =	vst v2  }
0x7e: {  	[tilespmem:$0x6320] =	vst v2  }
0x7f: {  	[tilespmem:$0x6330] =	vst v2  }
0x80: {  	[tilespmem:$0x6340] =	vst v2  }
0x81: {  	[tilespmem:$0x6350] =	vst v2  }
0x82: {  	[tilespmem:$0x6360] =	vst v2  }
0x83: {  	[tilespmem:$0x6370] =	vst v2  }
0x84: {  	[tilespmem:$0x6380] =	vst v2  }
0x85: {  	[tilespmem:$0x6390] =	vst v2  }
0x86: {  	[tilespmem:$0x63A0] =	vst v2  }
0x87: {  	[tilespmem:$0x63B0] =	vst v2  }
0x88: {  	[tilespmem:$0x63C0] =	vst v2  }
0x89: {  	[tilespmem:$0x63D0] =	vst v2  }
0x8a: {  	[tilespmem:$0x63E0] =	vst v2  }
0x8b: {  	s13 =	simm.s32 @p0 $0x1;
	[tilespmem:$0x63F0] =	vst v2  }
0x8c: {  	_ =	swait.ge @p0 [sflag:s13], $0x4830  }
0x8d: {  	[sflag:s13] =	ssyncset.done @p0 $0x0  }
0x8e: {  	[sflag:s13] =	ssyncadd.s32 @p0 $0xFFFFB7D0  }
0x8f: {  	_ =	swait.ge @p0 [sflag:s13], $0x1810  }
0x90: {  	[sflag:s13] =	ssyncset.done @p0 $0x0  }
0x91: {  	[sflag:s13] =	ssyncadd.s32 @p0 $0xFFFFE7F0;
	s13 =	simm.s32 @!p0 $0x1  }
0x92: {  	_ =	swait.ge @!p0 [sflag:s13], $0x4950  }
0x93: {  	[sflag:s13] =	ssyncset.done @!p0 $0x0  }
0x94: {  	[sflag:s13] =	ssyncadd.s32 @!p0 $0xFFFFB6B0  }
0x95: {  	_ =	swait.ge @!p0 [sflag:s13], $0x1870  }
0x96: {  	[sflag:s13] =	ssyncset.done @!p0 $0x0  }
0x97: {  	[sflag:s13] =	ssyncadd.s32 @!p0 $0xFFFFE790;
	s13 =	simm.s32 $0x4980  }
0x98: {  	v4 =	vld [tilespmem:s13+$0x0];
	_ =	sdelay $0x1  }
0x99: {  	s15 =	simm.s32 $0x0  }
0x9a: {  	v5 =	vor.u32 s15, v3  }
0x9b: {  	vm0 =	vlt.u32 v5, v0  }
0x9c: {  	v4 =	vnsel vm0, $0x1FF, v4  }
0x9d: {  	v6 =	vxor.u32 $0x80000000, v4  }
0x9e: {  	(xrf0) =	vmin.scan.msk.u32 $0xffff, v6  }
0x9f: {  	(xrf0) =	vmax.scan.msk.u32 $0xffff, v6;
	_ =	sdelay $0x4  }
0xa0: {  	v6, _, _ =	vpop (xrf0)  }
0xa1: {  	(v2sf) =	vpush v6, $0xF;
	v6, _, _ =	vpop (xrf0)  }
0xa2: {  	(v2sf) =	vpush v6, $0xF;
	_ =	sdelay $0x4  }
0xa3: {  	v5 =	vmul.u32 $0x3, v5;
	_ =	sdelay $0x1  }
0xa4: {  	v5 =	vadd.s32 $0x1, v5  }
0xa5: {  	v5 =	vnsel vm0, $0x1, v5;
	_ =	sdelay $0x4  }
0xa6: {  	v5 =	vld.idx.msk [tilespmem:v5+s2+$0x0], $0xffff  }
0xa7: {  	s14 =	spop (v2sf)  }
0xa8: {  	s16 =	spop (v2sf)  }
0xa9: {  	p2 =	sne.s32 s14, s16  }
0xaa: {  	vm1 =	vcmask @p2 $0x704  }
0xab: {  	v5 =	vand.u32 $0x7FFFFFFF, v5;
	vm2 =	vcmask @p2 $0xB08  }
0xac: {  	v5 =	vmul.f32 $1.000000010e-01, v5;
	vm3 =	vcmask @p2 $0xF0C  }
0xad: {  	vm4 =	vcmask @p2 $0x1310  }
0xae: {  	v5 =	vnsel vm0, $0x0, v5;
	s15 =	simm.s32 @p2 $0x6200;
	vm0 =	vcmask @p2 $0x1714  }
0xaf: {  	vm5 =	vcmask @p2 $0x1B18;
	[tilespmem:v4+s15+$0x0] =	vst.idx.add.f32.msk @p2 $0x1, v5  }
0xb0: {  	vm6 =	vcmask @p2 $0x1F1C;
	[tilespmem:v4+s15+$0x0] =	vst.idx.add.f32.msk @p2 vm1, v5  }
0xb1: {  	vm1 =	vcmask @p2 $0x2320;
	[tilespmem:v4+s15+$0x0] =	vst.idx.add.f32.msk @p2 vm2, v5  }
0xb2: {  	(xrf2) =	vadd.scan.msk.f32 @!p2 $0xffff, v5;
	vm2 =	vcmask @p2 $0x2724;
	[tilespmem:v4+s15+$0x0] =	vst.idx.add.f32.msk @p2 vm3, v5  }
0xb3: {  	vm3 =	vcmask @p2 $0x2B28;
	[tilespmem:v4+s15+$0x0] =	vst.idx.add.f32.msk @p2 vm4, v5  }
0xb4: {  	vm4 =	vcmask @p2 $0x2F2C;
	[tilespmem:v4+s15+$0x0] =	vst.idx.add.f32.msk @p2 vm0, v5  }
0xb5: {  	vm0 =	vcmask @p2 $0x3330;
	[tilespmem:v4+s15+$0x0] =	vst.idx.add.f32.msk @p2 vm5, v5  }
0xb6: {  	[tilespmem:v4+s15+$0x0] =	vst.idx.add.f32.msk @p2 vm6, v5  }
0xb7: {  	[tilespmem:v4+s15+$0x0] =	vst.idx.add.f32.msk @p2 vm1, v5  }
0xb8: {  	[tilespmem:v4+s15+$0x0] =	vst.idx.add.f32.msk @p2 vm2, v5  }
0xb9: {  	vm5 =	vcmask @p2 $0x3734;
	[tilespmem:v4+s15+$0x0] =	vst.idx.add.f32.msk @p2 vm3, v5  }
0xba: {  	vm6 =	vcmask @p2 $0x3B38;
	[tilespmem:v4+s15+$0x0] =	vst.idx.add.f32.msk @p2 vm4, v5  }
0xbb: {  	[tilespmem:v4+s15+$0x0] =	vst.idx.add.f32.msk @p2 vm0, v5;
	vm0 =	vcmask @p2 $0x3F3C  }
0xbc: {  	s16 =	sxor.u32 @!p2 $0x80000000, s14;
	v6, _, _ =	vpop @!p2 (xrf2)  }
0xbd: {  	v7 =	vadd.f32 @!p2 $0.0e+00, v6;
	v6 =	vmov @!p2 s16;
	_ =	sdelay $0x1  }
0xbe: {  	[tilespmem:v4+s15+$0x0] =	vst.idx.add.f32.msk @p2 vm5, v5  }
0xbf: {  	s14 =	simm.s32 $0x10;
	s16 =	simm.s32 @!p2 $0x6200;
	v7 =	vbroadcast @!p2 v7, $0xF;
	[tilespmem:v4+s15+$0x0] =	vst.idx.add.f32.msk @p2 vm6, v5  }
.LBB2_3:
0xc0: {  	[tilespmem:v4+s15+$0x0] =	vst.idx.add.f32.msk @p2 vm0, v5;
	s13 =	sadd.s32 $0x10, s13;
	s15 =	smov.u32 s14;
	s14 =	sadd.s32 $0x10, s14  }
0xc1: {  	p3 =	sne.s32 s14, $0x1870;
	[tilespmem:v6+s16+$0x0] =	vst.idx.add.f32.msk @!p2 $0x1, v7  }
0xc2: {  	v4 =	vld [tilespmem:s13+$0x0];
	_ =	sdelay $0x2  }
0xc3: {  	v5 =	vor.u32 s15, v3  }
0xc4: {  	vm0 =	vlt.u32 v5, v0;
	v5 =	vmul.u32 $0x3, v5  }
0xc5: {  	v4 =	vnsel vm0, $0x1FF, v4  }
0xc6: {  	v5 =	vadd.s32 $0x1, v5;
	v6 =	vxor.u32 $0x80000000, v4  }
0xc7: {  	v5 =	vnsel vm0, $0x1, v5;
	(xrf0) =	vmin.scan.msk.u32 $0xffff, v6  }
0xc8: {  	(xrf0) =	vmax.scan.msk.u32 $0xffff, v6;
	_ =	sdelay $0x4  }
0xc9: {  	v6, _, _ =	vpop (xrf0)  }
0xca: {  	(v2sf) =	vpush v6, $0xF;
	v6, _, _ =	vpop (xrf0)  }
0xcb: {  	(v2sf) =	vpush v6, $0xF;
	_ =	sdelay $0x6  }
0xcc: {  	v5 =	vld.idx.msk [tilespmem:v5+s2+$0x0], $0xffff;
	_ =	sdelay $0x5  }
0xcd: {  	v5 =	vand.u32 $0x7FFFFFFF, v5  }
0xce: {  	v5 =	vmul.f32 $1.000000010e-01, v5;
	s15 =	spop (v2sf)  }
0xcf: {  	s16 =	spop (v2sf)  }
0xd0: {  	v5 =	vnsel vm0, $0x0, v5;
	p2 =	sne.s32 s15, s16  }
0xd1: {  	vm0 =	vcmask @p2 $0x704;
	vm1 =	vcmask @p2 $0xB08;
	s15 =	sxor.u32 @!p2 $0x80000000, s15;
	(xrf2) =	vadd.scan.msk.f32 @!p2 $0xffff, v5  }
0xd2: {  	vm2 =	vcmask @p2 $0xF0C;
	v6 =	vmov @!p2 s15  }
0xd3: {  	vm3 =	vcmask @p2 $0x1310  }
0xd4: {  	vm4 =	vcmask @p2 $0x1714;
	s15 =	simm.s32 @p2 $0x6200  }
0xd5: {  	vm5 =	vcmask @p2 $0x1B18;
	[tilespmem:v4+s15+$0x0] =	vst.idx.add.f32.msk @p2 $0x1, v5  }
0xd6: {  	vm6 =	vcmask @p2 $0x1F1C  }
0xd7: {  	[tilespmem:v4+s15+$0x0] =	vst.idx.add.f32.msk @p2 vm0, v5;
	vm0 =	vcmask @p2 $0x2320  }
0xd8: {  	[tilespmem:v4+s15+$0x0] =	vst.idx.add.f32.msk @p2 vm1, v5;
	vm1 =	vcmask @p2 $0x2724  }
0xd9: {  	[tilespmem:v4+s15+$0x0] =	vst.idx.add.f32.msk @p2 vm2, v5;
	vm2 =	vcmask @p2 $0x2B28  }
0xda: {  	[tilespmem:v4+s15+$0x0] =	vst.idx.add.f32.msk @p2 vm3, v5;
	vm3 =	vcmask @p2 $0x2F2C  }
0xdb: {  	[tilespmem:v4+s15+$0x0] =	vst.idx.add.f32.msk @p2 vm4, v5;
	vm4 =	vcmask @p2 $0x3330;
	v7, _, _ =	vpop @!p2 (xrf2)  }
0xdc: {  	[tilespmem:v4+s15+$0x0] =	vst.idx.add.f32.msk @p2 vm5, v5;
	vm5 =	vcmask @p2 $0x3734;
	v7 =	vadd.f32 @!p2 $0.0e+00, v7  }
0xdd: {  	[tilespmem:v4+s15+$0x0] =	vst.idx.add.f32.msk @p2 vm6, v5;
	vm6 =	vcmask @p2 $0x3B38  }
0xde: {  	[tilespmem:v4+s15+$0x0] =	vst.idx.add.f32.msk @p2 vm0, v5;
	vm0 =	vcmask @p2 $0x3F3C;
	v7 =	vbroadcast @!p2 v7, $0xF  }
0xdf: {  	[tilespmem:v4+s15+$0x0] =	vst.idx.add.f32.msk @p2 vm1, v5  }
.Ltmp5:
0xe0: {  	[tilespmem:v4+s15+$0x0] =	vst.idx.add.f32.msk @p2 vm2, v5;
	(pc) =	sbr.rel @p3 .LBB2_3-.Ltmp5, $4  }
0xe1: {  	[tilespmem:v4+s15+$0x0] =	vst.idx.add.f32.msk @p2 vm3, v5  }
0xe2: {  	[tilespmem:v4+s15+$0x0] =	vst.idx.add.f32.msk @p2 vm4, v5  }
0xe3: {  	[tilespmem:v4+s15+$0x0] =	vst.idx.add.f32.msk @p2 vm5, v5  }
0xe4: {  	s16 =	simm.s32 @!p2 $0x6200;
	[tilespmem:v4+s15+$0x0] =	vst.idx.add.f32.msk @p2 vm6, v5  }
0xe5: {  	_ =	sdelay $0x4  }
0xe6: {  	[tilespmem:v4+s15+$0x0] =	vst.idx.add.f32.msk @p2 vm0, v5  }
0xe7: {  	s13 =	rddreg [dreg:$0xa];
	[tilespmem:v6+s16+$0x0] =	vst.idx.add.f32.msk @!p2 $0x1, v7  }
0xe8: {  	[spmem:s13] =	stream.linear.scatter [tilespmem:s10], [sflag:$0x2], $0x200, $0x38;
	[tilespmem:$0x7000] =	vst v63  }
0xe9: {  	_ =	swait.ge [sflag:s11], $0x200  }
0xea: {  	[sflag:s11] =	ssyncset.done $0x0  }
0xeb: {  	[sflag:s11] =	ssyncadd.s32 $0xFFFFFE00  }
0xec: {  	s15 =	simm.s32 $0x6400;
	[bflag:$0x0] =	sbarrier.arrive $0xFFFF  }
0xed: {  	[tilespmem:s15], [sflag:$0x1] =	stream.linear.gather [spmem:s7], $0x20, $0x38;
	[tilespmem:$0x7000] =	vst v63  }
0xee: {  	s14 =	simm.s32 $0x6420;
	s16 =	rddreg [dreg:$0xb]  }
0xef: {  	[tilespmem:s14], [sflag:$0x1] =	stream.linear.gather [spmem:s16], $0x20, $0x38;
	[tilespmem:$0x7000] =	vst v63  }
0xf0: {  	s15 =	rddreg [dreg:$0xc];
	s16 =	simm.s32 $0x6440  }
0xf1: {  	[tilespmem:s16], [sflag:$0x1] =	stream.linear.gather [spmem:s15], $0x20, $0x38;
	[tilespmem:$0x7000] =	vst v63  }
0xf2: {  	s14 =	rddreg [dreg:$0xd];
	s15 =	simm.s32 $0x6460  }
0xf3: {  	[tilespmem:s15], [sflag:$0x1] =	stream.linear.gather [spmem:s14], $0x20, $0x38;
	[tilespmem:$0x7000] =	vst v63  }
0xf4: {  	s16 =	simm.s32 $0x6480  }
0xf5: {  	[tilespmem:s16], [sflag:$0x1] =	stream.linear.gather [spmem:s25], $0x20, $0x38;
	[tilespmem:$0x7000] =	vst v63  }
0xf6: {  	s14 =	simm.s32 $0x64A0  }
0xf7: {  	[tilespmem:s14], [sflag:$0x1] =	stream.linear.gather [spmem:s26], $0x20, $0x38;
	[tilespmem:$0x7000] =	vst v63  }
0xf8: {  	s15 =	simm.s32 $0x64C0  }
0xf9: {  	[tilespmem:s15], [sflag:$0x1] =	stream.linear.gather [spmem:s28], $0x20, $0x38;
	[tilespmem:$0x7000] =	vst v63  }
0xfa: {  	s16 =	simm.s32 $0x64E0  }
0xfb: {  	[tilespmem:s16], [sflag:$0x1] =	stream.linear.gather [spmem:s29], $0x20, $0x38;
	[tilespmem:$0x7000] =	vst v63  }
0xfc: {  	s14 =	simm.s32 $0x6500  }
0xfd: {  	[tilespmem:s14], [sflag:$0x1] =	stream.linear.gather [spmem:s30], $0x20, $0x38;
	[tilespmem:$0x7000] =	vst v63  }
0xfe: {  	s15 =	simm.s32 $0x6520  }
0xff: {  	[tilespmem:s15], [sflag:$0x1] =	stream.linear.gather [spmem:s31], $0x20, $0x38;
	[tilespmem:$0x7000] =	vst v63  }
0x100: {  	s16 =	simm.s32 $0x6540  }
0x101: {  	[tilespmem:s16], [sflag:$0x1] =	stream.linear.gather [spmem:s0], $0x20, $0x38;
	[tilespmem:$0x7000] =	vst v63  }
0x102: {  	s14 =	simm.s32 $0x6560  }
0x103: {  	[tilespmem:s14], [sflag:$0x1] =	stream.linear.gather [spmem:s1], $0x20, $0x38;
	[tilespmem:$0x7000] =	vst v63  }
0x104: {  	s15 =	simm.s32 $0x6580  }
0x105: {  	[tilespmem:s15], [sflag:$0x1] =	stream.linear.gather [spmem:s3], $0x20, $0x38;
	[tilespmem:$0x7000] =	vst v63  }
0x106: {  	s16 =	simm.s32 $0x65A0  }
0x107: {  	[tilespmem:s16], [sflag:$0x1] =	stream.linear.gather [spmem:s4], $0x20, $0x38;
	[tilespmem:$0x7000] =	vst v63  }
0x108: {  	s14 =	simm.s32 $0x65C0  }
0x109: {  	[tilespmem:s14], [sflag:$0x1] =	stream.linear.gather [spmem:s5], $0x20, $0x38;
	[tilespmem:$0x7000] =	vst v63  }
0x10a: {  	s15 =	simm.s32 $0x65E0  }
0x10b: {  	[tilespmem:s15], [sflag:$0x1] =	stream.linear.gather [spmem:s6], $0x20, $0x38;
	[tilespmem:$0x7000] =	vst v63  }
0x10c: {  	_ =	swait.ge [sflag:s9], $0x20  }
0x10d: {  	[sflag:s9] =	ssyncset.done $0x0  }
0x10e: {  	[sflag:s9] =	ssyncadd.s32 $0xFFFFFFE0  }
0x10f: {  	_ =	swait.ge [sflag:s9], $0x20  }
0x110: {  	[sflag:s9] =	ssyncset.done $0x0  }
0x111: {  	[sflag:s9] =	ssyncadd.s32 $0xFFFFFFE0  }
0x112: {  	_ =	swait.ge [sflag:s9], $0x20  }
0x113: {  	[sflag:s9] =	ssyncset.done $0x0  }
0x114: {  	[sflag:s9] =	ssyncadd.s32 $0xFFFFFFE0  }
0x115: {  	_ =	swait.ge [sflag:s9], $0x20  }
0x116: {  	[sflag:s9] =	ssyncset.done $0x0  }
0x117: {  	[sflag:s9] =	ssyncadd.s32 $0xFFFFFFE0  }
0x118: {  	_ =	swait.ge [sflag:s9], $0x20  }
0x119: {  	[sflag:s9] =	ssyncset.done $0x0  }
0x11a: {  	[sflag:s9] =	ssyncadd.s32 $0xFFFFFFE0  }
0x11b: {  	_ =	swait.ge [sflag:s9], $0x20  }
0x11c: {  	[sflag:s9] =	ssyncset.done $0x0  }
0x11d: {  	[sflag:s9] =	ssyncadd.s32 $0xFFFFFFE0  }
0x11e: {  	_ =	swait.ge [sflag:s9], $0x20  }
0x11f: {  	[sflag:s9] =	ssyncset.done $0x0  }
0x120: {  	[sflag:s9] =	ssyncadd.s32 $0xFFFFFFE0  }
0x121: {  	_ =	swait.ge [sflag:s9], $0x20  }
0x122: {  	[sflag:s9] =	ssyncset.done $0x0  }
0x123: {  	[sflag:s9] =	ssyncadd.s32 $0xFFFFFFE0  }
0x124: {  	_ =	swait.ge [sflag:s9], $0x20  }
0x125: {  	[sflag:s9] =	ssyncset.done $0x0  }
0x126: {  	[sflag:s9] =	ssyncadd.s32 $0xFFFFFFE0  }
0x127: {  	_ =	swait.ge [sflag:s9], $0x20  }
0x128: {  	[sflag:s9] =	ssyncset.done $0x0  }
0x129: {  	[sflag:s9] =	ssyncadd.s32 $0xFFFFFFE0  }
0x12a: {  	_ =	swait.ge [sflag:s9], $0x20  }
0x12b: {  	[sflag:s9] =	ssyncset.done $0x0  }
0x12c: {  	[sflag:s9] =	ssyncadd.s32 $0xFFFFFFE0  }
0x12d: {  	_ =	swait.ge [sflag:s9], $0x20  }
0x12e: {  	[sflag:s9] =	ssyncset.done $0x0  }
0x12f: {  	[sflag:s9] =	ssyncadd.s32 $0xFFFFFFE0  }
0x130: {  	_ =	swait.ge [sflag:s9], $0x20  }
0x131: {  	[sflag:s9] =	ssyncset.done $0x0  }
0x132: {  	[sflag:s9] =	ssyncadd.s32 $0xFFFFFFE0  }
0x133: {  	_ =	swait.ge [sflag:s9], $0x20  }
0x134: {  	[sflag:s9] =	ssyncset.done $0x0  }
0x135: {  	[sflag:s9] =	ssyncadd.s32 $0xFFFFFFE0  }
0x136: {  	_ =	swait.ge [sflag:s9], $0x20  }
0x137: {  	[sflag:s9] =	ssyncset.done $0x0  }
0x138: {  	[sflag:s9] =	ssyncadd.s32 $0xFFFFFFE0  }
0x139: {  	_ =	swait.ge [sflag:s9], $0x20  }
0x13a: {  	[sflag:s9] =	ssyncset.done $0x0  }
0x13b: {  	[sflag:s9] =	ssyncadd.s32 $0xFFFFFFE0  }
0x13c: {  	v4 =	vld [tilespmem:$0x6400]  }
0x13d: {  	v5 =	vld [tilespmem:$0x6410]  }
0x13e: {  	v37 =	vld [tilespmem:$0x6420]  }
0x13f: {  	v38 =	vld [tilespmem:$0x6430]  }
0x140: {  	v8 =	vld [tilespmem:$0x6440]  }
0x141: {  	v9 =	vld [tilespmem:$0x6450];
	v4 =	vadd.f32 $0.0e+00, v4  }
0x142: {  	v10 =	vld [tilespmem:$0x6460];
	v5 =	vadd.f32 $0.0e+00, v5  }
0x143: {  	v39 =	vld [tilespmem:$0x6470];
	v4 =	vadd.f32 v37, v4  }
0x144: {  	v40 =	vld [tilespmem:$0x6480];
	v5 =	vadd.f32 v38, v5  }
0x145: {  	v41 =	vld [tilespmem:$0x6490];
	v4 =	vadd.f32 v8, v4  }
0x146: {  	v42 =	vld [tilespmem:$0x64A0];
	v5 =	vadd.f32 v9, v5  }
0x147: {  	v43 =	vld [tilespmem:$0x64B0];
	v4 =	vadd.f32 v10, v4  }
0x148: {  	v44 =	vld [tilespmem:$0x64C0];
	v5 =	vadd.f32 v39, v5  }
0x149: {  	v45 =	vld [tilespmem:$0x64D0];
	v4 =	vadd.f32 v40, v4  }
0x14a: {  	v46 =	vld [tilespmem:$0x64E0];
	v5 =	vadd.f32 v41, v5  }
0x14b: {  	v47 =	vld [tilespmem:$0x64F0];
	v4 =	vadd.f32 v42, v4  }
0x14c: {  	v48 =	vld [tilespmem:$0x6500];
	v5 =	vadd.f32 v43, v5  }
0x14d: {  	v49 =	vld [tilespmem:$0x6510];
	v4 =	vadd.f32 v44, v4  }
0x14e: {  	v50 =	vld [tilespmem:$0x6520];
	v5 =	vadd.f32 v45, v5  }
0x14f: {  	v51 =	vld [tilespmem:$0x6530];
	v4 =	vadd.f32 v46, v4  }
0x150: {  	v52 =	vld [tilespmem:$0x6540];
	v5 =	vadd.f32 v47, v5  }
0x151: {  	v53 =	vld [tilespmem:$0x6550];
	v4 =	vadd.f32 v48, v4  }
0x152: {  	v54 =	vld [tilespmem:$0x6560];
	v5 =	vadd.f32 v49, v5  }
0x153: {  	v55 =	vld [tilespmem:$0x6570];
	v4 =	vadd.f32 v50, v4  }
0x154: {  	v56 =	vld [tilespmem:$0x6580];
	v5 =	vadd.f32 v51, v5  }
0x155: {  	v57 =	vld [tilespmem:$0x6590];
	v4 =	vadd.f32 v52, v4  }
0x156: {  	v58 =	vld [tilespmem:$0x65A0];
	v5 =	vadd.f32 v53, v5  }
0x157: {  	v59 =	vld [tilespmem:$0x65B0];
	v4 =	vadd.f32 v54, v4  }
0x158: {  	v60 =	vld [tilespmem:$0x65C0];
	v5 =	vadd.f32 v55, v5  }
0x159: {  	v61 =	vld [tilespmem:$0x65D0];
	v4 =	vadd.f32 v56, v4  }
0x15a: {  	v62 =	vld [tilespmem:$0x65E0];
	v5 =	vadd.f32 v57, v5  }
0x15b: {  	v63 =	vld [tilespmem:$0x65F0];
	v4 =	vadd.f32 v58, v4  }
0x15c: {  	v5 =	vadd.f32 v59, v5  }
0x15d: {  	v4 =	vadd.f32 v60, v4  }
0x15e: {  	v5 =	vadd.f32 v61, v5  }
0x15f: {  	v4 =	vadd.f32 v62, v4  }
0x160: {  	v5 =	vadd.f32 v63, v5  }
0x161: {  	[tilespmem:$0x6200] =	vst v4  }
.Ltmp6:
0x162: {  	s16 =	rddreg [dreg:$0xe];
	[tilespmem:$0x6210] =	vst v5;
	(pc) =	sbr.rel .LBB2_8-.Ltmp6, $4  }
0x163: {  	[hbm4b:s16+s2] =	stream.linear.scatter [tilespmem:s10], [sflag:$0x2], $0x20, $0x38;
	[tilespmem:$0x7000] =	vst v63  }
0x164: {  	_ =	swait.ge [sflag:s11], $0x20  }
0x165: {  	[sflag:s11] =	ssyncset.done $0x0  }
0x166: {  	[sflag:s11] =	ssyncadd.s32 $0xFFFFFFE0  }
.LBB2_9:
0x167: {  	_ =	sfence.sel $0x180000  }
0x168: {  	[bflag:$0x0] =	sbarrier.arrive $0xFFFF  }
0x169: {  	_ =	strace $0x90000047  }
0x16a: {  	s0 =	stileid.u32;
	[bflag:$0x2] =	sbarrier.arrive $0xFFFF  }
0x16b: {  	p0 =	sne.s32 s0, $0x0;
	s0 =	rddreg [dreg:$0x5]  }
0x16c: {  	s0 =	sadd.s32 @!p0 $0x100000, s0  }
0x16d: {  	[sflag:s0] =	ssyncadd.tile.s32 @!p0 $0x1;
	_ =	shalt  }
.Lfunc_end2:
_tile_overlayer_lowered:
.L_overlay_start_2:
0x16e: {  	(tag) =	ssettag $0x2  }
0x16f: {  	s0 =	rddreg [dreg:$0x0];
	s2 =	stileid.u32  }
0x170: {  	s1 =	rddreg [dreg:$0x1];
	p0 =	sne.s32 s2, $0x0  }
0x171: {  	s3 =	rddreg [dreg:$0x2];
	[bflag:$0x3] =	sbarrier.arrive $0xFFFF;
	s2 =	simm.s32 @!p0 $0x1C02  }
0x172: {  	[timem:s3], [sflag:s2] =	dma.local @!p0 [hbm:s0], s1  }
0x173: {  	s0 =	simm.s32 @!p0 $0x2  }
0x174: {  	_ =	swait.ge @!p0 [sflag:s0], s1  }
0x175: {  	s1 =	ssub.s32 @!p0 $0x0, s1;
	[sflag:s0] =	ssyncset.done @!p0 $0x0  }
0x176: {  	[sflag:s0] =	ssyncadd.s32 @!p0 s1  }
0x177: {  	[bflag:$0x3] =	sbarrier.arrive $0xFFFF  }
0x178: {  	_ =	shalt  }

</sc_bundles>
